<compile_context>
chip_gen: v7x
topology: tpu7x:2x2x1
jax: 0.10.2.dev20260603
libtpu: 0.0.44.dev20260713+nightly
codegen_flags: <defaults>
</compile_context>

<pallas_src>
import functools

import jax
import jax.numpy as jnp
from jax import lax
from jax.experimental import pallas as pl
from jax.experimental.pallas import tpu as pltpu
from jax.experimental.pallas import tpu_sc as plsc

ROWS = 128
COLS = 100000
LANES = 16
NWORKERS = 32
RPW = ROWS // NWORKERS
SUB_V = 25
SUB_E = SUB_V * LANES
NSUB = COLS // SUB_E

_NEG = -3.0e38


def _sc_row_stats(x, y):
    mesh = plsc.VectorSubcoreMesh(core_axis_name="c", subcore_axis_name="s")

    @functools.partial(
        pl.kernel,
        out_type=jax.ShapeDtypeStruct((ROWS, LANES), jnp.float32),
        mesh=mesh,
        compiler_params=pltpu.CompilerParams(use_tc_tiling_on_sc=True),
        scratch_types=[
            pltpu.VMEM((COLS,), jnp.float32),
            pltpu.VMEM((LANES,), jnp.int32),
            pltpu.VMEM((5, LANES), jnp.float32),
            pltpu.VMEM((RPW, LANES), jnp.float32),
            pltpu.SemaphoreType.DMA,
        ],
    )
    def k(x_hbm, y_hbm, out_hbm, rowbuf, ybuf, gbuf, obuf, sem0):
        wid = lax.axis_index("s") * 2 + lax.axis_index("c")
        base = wid * RPW
        iota = lax.iota(jnp.int32, LANES)
        negv = jnp.full((LANES,), _NEG, jnp.float32)

        def process_row():

            def subchunk(i, carry):
                s0, s1, s2, s3 = carry
                off = i * SUB_E
                cm0 = negv
                cm1 = negv
                es = [s0, s1, s2, s3]
                for u in range(SUB_V):
                    v = rowbuf[pl.ds(off + u * LANES, LANES)]
                    es[u % 4] = es[u % 4] + jnp.exp(v)
                    if u % 2 == 0:
                        cm0 = jnp.maximum(cm0, v)
                    else:
                        cm1 = jnp.maximum(cm1, v)
                cm = jnp.maximum(cm0, cm1)
                for sh in (1, 2, 4, 8):
                    cm = jnp.maximum(cm, cm[iota ^ sh])
                trig = cm[0] >= gbuf[4, :][0]

                @pl.when(trig)
                def _rescan():
                    u1 = u2 = u3 = u4 = u5 = negv
                    for u in range(SUB_V):
                        v = rowbuf[pl.ds(off + u * LANES, LANES)]
                        m = jnp.minimum(u1, v)
                        u1 = jnp.maximum(u1, v)
                        v = m
                        m = jnp.minimum(u2, v)
                        u2 = jnp.maximum(u2, v)
                        v = m
                        m = jnp.minimum(u3, v)
                        u3 = jnp.maximum(u3, v)
                        v = m
                        m = jnp.minimum(u4, v)
                        u4 = jnp.maximum(u4, v)
                        v = m
                        u5 = jnp.maximum(u5, v)
                    gs = [gbuf[j, :] for j in range(5)]
                    for _ in range(5):
                        g = u1
                        for sh in (1, 2, 4, 8):
                            g = jnp.maximum(g, g[iota ^ sh])
                        cand = jnp.where(u1 == g, iota, LANES)
                        for sh in (1, 2, 4, 8):
                            cand = jnp.minimum(cand, cand[iota ^ sh])
                        pm = iota == cand
                        u1 = jnp.where(pm, u2, u1)
                        u2 = jnp.where(pm, u3, u2)
                        u3 = jnp.where(pm, u4, u3)
                        u4 = jnp.where(pm, u5, u4)
                        u5 = jnp.where(pm, _NEG, u5)
                        m = g
                        for j in range(5):
                            hi = jnp.maximum(gs[j], m)
                            m = jnp.minimum(gs[j], m)
                            gs[j] = hi
                    for j in range(5):
                        gbuf[j, :] = gs[j]

                return (es[0], es[1], es[2], es[3])

            z = jnp.zeros((LANES,), jnp.float32)
            return lax.fori_loop(0, NSUB, subchunk, (z, z, z, z))

        def row_body(r, _):
            row = base + r
            pltpu.sync_copy(x_hbm.at[row], rowbuf)
            y_off = pl.multiple_of(row - (row & (LANES - 1)), LANES)
            pltpu.sync_copy(y_hbm.at[pl.ds(y_off, LANES)], ybuf)
            yl = row & (LANES - 1)
            ysv = jnp.where(iota == yl, ybuf[...], 0)
            for sh in (1, 2, 4, 8):
                ysv = ysv + ysv[iota ^ sh]
            ys = ysv[0]
            lane = ys & (LANES - 1)
            grp = rowbuf[pl.ds(ys - lane, LANES)]
            fyv = grp[jnp.broadcast_to(lane, (LANES,))]
            for j in range(5):
                gbuf[j, :] = negv

            s0, s1, s2, s3 = process_row()

            t_sum = (s0 + s1) + (s2 + s3)
            for sh in (1, 2, 4, 8):
                t_sum = t_sum + t_sum[iota ^ sh]
            g5 = gbuf[4, :]
            t_top5 = (
                jnp.exp(gbuf[0, :])
                + jnp.exp(gbuf[1, :])
                + jnp.exp(gbuf[2, :])
                + jnp.exp(gbuf[3, :])
                + jnp.exp(g5)
            )
            sv = (t_sum - t_top5) / jnp.exp(fyv) - jnp.where(
                fyv >= g5, 0.0, 1.0
            )
            obuf[r, :] = sv
            return 0

        lax.fori_loop(0, RPW, row_body, 0)
        pltpu.sync_copy(obuf, out_hbm.at[pl.ds(base, RPW)])

    return k(x, y)


def _tc_finish(s):

    def body(s_ref, o_ref):
        col = s_ref[:, 0:1]
        tot = jnp.sum(jnp.log(1.0 + col), axis=0, keepdims=True)
        o_ref[...] = tot * (1.0 / ROWS)

    return pl.pallas_call(
        body,
        out_shape=jax.ShapeDtypeStruct((1, 1), jnp.float32),
    )(s)


@jax.jit
def kernel(x, y):
    s = _sc_row_stats(x, y.astype(jnp.int32))
    return _tc_finish(s)[0, 0]

# --- scband reference (transcript-rebuilt; emitter-appended) ---
"""Pipeline reference for scband-entr-loss-43361989820441 (READ-ONLY COPY).

The authoritative reference and input builder live on the scoring server;
editing this copy changes nothing except your own understanding.
"""

import jax, jax.numpy as jnp
import numpy as np

K = 5


def setup_inputs(seed: int = 0) -> dict:
    key = jax.random.key(seed)
    k1, k2 = jax.random.split(key)
    x = jax.random.normal(k1, (128, 100000), dtype=jnp.float32)
    y = jax.random.randint(k2, (128,), 0, 100000, dtype=jnp.int32)
    return {"x": x, "y": y}


def reference(x, y):
    # Full descending sort with indices (torch x.sort(dim=1, descending=True))
    order = jnp.argsort(-x, axis=1)
    x_sorted = jnp.take_along_axis(x, order, axis=1)
    x_sorted_last = x_sorted[:, K:]
    I_last = order[:, K:]
    # fy = x.gather(1, y.unsqueeze(1))
    fy = jnp.take_along_axis(x, y[:, None], axis=1)
    # J masks out the true-class column among the non-top-k entries
    J = (I_last != y[:, None]).astype(x.dtype)
    losses = jnp.log(1.0 + jnp.sum(jnp.exp(x_sorted_last - fy) * J, axis=1))
    return jnp.mean(losses)

if __name__ == "__main__":
    import jax
    _d = setup_inputs()
    print(jax.jit(kernel)(*tuple(_d.values())))

</pallas_src>

<mosaic_0001>
#map = affine_map<(d0, d1) -> (0, 0)>
#map1 = affine_map<(d0, d1) -> (0)>
module attributes {stable_mosaic.version = 14 : i64} {
  func.func @k(%arg0: i32, %arg1: i32, %arg2: memref<128x100000xf32, #tpu.memory_space<hbm>>, %arg3: memref<128xi32, #tpu.memory_space<hbm>>, %arg4: memref<128x16xf32, #tpu.memory_space<hbm>>, %arg5: memref<100000xf32, #tpu.memory_space<vmem>>, %arg6: memref<16xi32, #tpu.memory_space<vmem>>, %arg7: memref<5x16xf32, #tpu.memory_space<vmem>>, %arg8: memref<4x16xf32, #tpu.memory_space<vmem>>, %arg9: memref<!tpu.dma_semaphore, #tpu.memory_space<semaphore_mem>>) attributes {dimension_semantics = [#tpu.dimension_semantics<core_parallel>, #tpu.dimension_semantics<subcore_parallel>], iteration_bounds = array<i64: 2, 16>, scalar_prefetch = 0 : i64, scratch_operands = 5 : i64, tpu.core_type = #tpu.core_type<sc_vector_subcore>, window_params = [{transform_indices = #map}, {transform_indices = #map1}, {transform_indices = #map}]} {
    %mul3A = arith.constant 2 : i32
    %mul3A_0 = arith.muli %arg1, %mul3A : i32
    %add3A = arith.addi %mul3A_0, %arg0 : i32
    %mul3A_1 = arith.constant 4 : i32
    %mul3A_2 = arith.muli %add3A, %mul3A_1 : i32
    %iota3A = tpu.iota {dimensions = array<i32: 0>} : vector<16xi32>
    %broadcast_in_dim3A = arith.constant -3.000000e+38 : f32
    %broadcast_in_dim3A_3 = vector.broadcast %broadcast_in_dim3A : f32 to vector<16xf32>
    %scan3A = arith.constant 0 : i32
    %scan3A_4 = arith.constant 0 : i32
    %scan3A_5 = arith.constant 4 : i32
    %scan3A_6 = arith.addi %scan3A_4, %scan3A_5 : i32
    %scan3A_7 = arith.constant 1 : i32
    %scan3A_8 = scf.for %scan3A_10 = %scan3A_4 to %scan3A_6 step %scan3A_7 iter_args(%scan3A_11 = %scan3A) -> (i32)  : i32 {
      %add3A_12 = arith.addi %mul3A_2, %scan3A_10 : i32
      "tpu.region"() ({
        %run_scoped3A = tpu.sem_alloc : memref<!tpu.dma_semaphore, #tpu.memory_space<semaphore_mem>>
        %dma_start3A = arith.constant 0 : i32
        %dma_start3A_233 = tpu.memref_slice %arg2[%add3A_12, %dma_start3A] : memref<128x100000xf32, #tpu.memory_space<hbm>> -> memref<1x100000xf32, #tpu.memory_space<hbm>>
        %dma_start3A_234 = tpu.memref_squeeze %dma_start3A_233 : memref<1x100000xf32, #tpu.memory_space<hbm>> -> memref<100000xf32, #tpu.memory_space<hbm>>
        %dma_start3A_235 = arith.constant 0 : i32
        %dma_start3A_236 = tpu.memref_slice %arg2[%add3A_12, %dma_start3A_235] : memref<128x100000xf32, #tpu.memory_space<hbm>> -> memref<1x100000xf32, #tpu.memory_space<hbm>>
        %dma_start3A_237 = tpu.memref_squeeze %dma_start3A_236 : memref<1x100000xf32, #tpu.memory_space<hbm>> -> memref<100000xf32, #tpu.memory_space<hbm>>
        tpu.enqueue_dma source(%dma_start3A_237 : memref<100000xf32, #tpu.memory_space<hbm>>) target(%arg5 : memref<100000xf32, #tpu.memory_space<vmem>>) target_semaphore(%run_scoped3A : memref<!tpu.dma_semaphore, #tpu.memory_space<semaphore_mem>>)
        %dma_wait3A = arith.constant 0 : i32
        %dma_wait3A_238 = tpu.memref_slice %arg2[%add3A_12, %dma_wait3A] : memref<128x100000xf32, #tpu.memory_space<hbm>> -> memref<1x100000xf32, #tpu.memory_space<hbm>>
        %dma_wait3A_239 = tpu.memref_squeeze %dma_wait3A_238 : memref<1x100000xf32, #tpu.memory_space<hbm>> -> memref<100000xf32, #tpu.memory_space<hbm>>
        %dma_wait3A_240 = arith.constant 0 : i32
        %dma_wait3A_241 = tpu.memref_slice %arg2[%add3A_12, %dma_wait3A_240] : memref<128x100000xf32, #tpu.memory_space<hbm>> -> memref<1x100000xf32, #tpu.memory_space<hbm>>
        %dma_wait3A_242 = tpu.memref_squeeze %dma_wait3A_241 : memref<1x100000xf32, #tpu.memory_space<hbm>> -> memref<100000xf32, #tpu.memory_space<hbm>>
        tpu.wait_dma2 semaphore(%run_scoped3A : memref<!tpu.dma_semaphore, #tpu.memory_space<semaphore_mem>>) src(%dma_wait3A_242 : memref<100000xf32, #tpu.memory_space<hbm>>) dst(%arg5 : memref<100000xf32, #tpu.memory_space<vmem>>)
        tpu.yield
      }) : () -> ()
      %and3A = arith.constant 15 : i32
      %and3A_13 = arith.andi %add3A_12, %and3A : i32
      %sub3A = arith.subi %add3A_12, %and3A_13 : i32
      %multiple_of3A = tpu.assume_multiple %sub3A, 16 : i32
      "tpu.region"() ({
        %run_scoped3A = tpu.sem_alloc : memref<!tpu.dma_semaphore, #tpu.memory_space<semaphore_mem>>
        %dma_start3A = tpu.memref_slice %arg3[%multiple_of3A] : memref<128xi32, #tpu.memory_space<hbm>> -> memref<16xi32, #tpu.memory_space<hbm>>
        %dma_start3A_233 = tpu.memref_slice %arg3[%multiple_of3A] : memref<128xi32, #tpu.memory_space<hbm>> -> memref<16xi32, #tpu.memory_space<hbm>>
        tpu.enqueue_dma source(%dma_start3A_233 : memref<16xi32, #tpu.memory_space<hbm>>) target(%arg6 : memref<16xi32, #tpu.memory_space<vmem>>) target_semaphore(%run_scoped3A : memref<!tpu.dma_semaphore, #tpu.memory_space<semaphore_mem>>)
        %dma_wait3A = tpu.memref_slice %arg3[%multiple_of3A] : memref<128xi32, #tpu.memory_space<hbm>> -> memref<16xi32, #tpu.memory_space<hbm>>
        %dma_wait3A_234 = tpu.memref_slice %arg3[%multiple_of3A] : memref<128xi32, #tpu.memory_space<hbm>> -> memref<16xi32, #tpu.memory_space<hbm>>
        tpu.wait_dma2 semaphore(%run_scoped3A : memref<!tpu.dma_semaphore, #tpu.memory_space<semaphore_mem>>) src(%dma_wait3A_234 : memref<16xi32, #tpu.memory_space<hbm>>) dst(%arg6 : memref<16xi32, #tpu.memory_space<vmem>>)
        tpu.yield
      }) : () -> ()
      %and3A_14 = arith.constant 15 : i32
      %and3A_15 = arith.andi %add3A_12, %and3A_14 : i32
      %eq3A = vector.broadcast %and3A_15 : i32 to vector<16xi32>
      %eq3A_16 = arith.cmpi eq, %iota3A, %eq3A : vector<16xi32>
      %get3A = arith.constant 0 : index
      %get3A_17 = tpu.vector_load %arg6[%get3A] {strides = array<i32>} : memref<16xi32, #tpu.memory_space<vmem>>, vector<16xi32>,
      %get3A_18 = vector.shape_cast %get3A_17 : vector<16xi32> to vector<16xi32>
      %jit3A = arith.constant 0 : i32
      %broadcast_in_dim3A_19 = vector.broadcast %jit3A : i32 to vector<16xi32>
      %select_n3A = arith.select %eq3A_16, %get3A_18, %broadcast_in_dim3A_19 : vector<16xi1>, vector<16xi32>
      %xor3A = arith.constant 1 : i32
      %xor3A_20 = vector.broadcast %xor3A : i32 to vector<16xi32>
      %xor3A_21 = arith.xori %iota3A, %xor3A_20 : vector<16xi32>
      %lt3A = arith.constant 0 : i32
      %lt3A_22 = vector.broadcast %lt3A : i32 to vector<16xi32>
      %lt3A_23 = arith.cmpi slt, %xor3A_21, %lt3A_22 : vector<16xi32>
      %add3A_24 = arith.constant 16 : i32
      %add3A_25 = vector.broadcast %add3A_24 : i32 to vector<16xi32>
      %add3A_26 = arith.addi %xor3A_21, %add3A_25 : vector<16xi32>
      %select_n3A_27 = arith.select %lt3A_23, %add3A_26, %xor3A_21 : vector<16xi1>, vector<16xi32>
      %broadcast_in_dim3A_28 = vector.shape_cast %select_n3A_27 : vector<16xi32> to vector<16x1xi32>
      %gather3A = vector.shape_cast %broadcast_in_dim3A_28 : vector<16x1xi32> to vector<16xi32>
      %gather3A_29 = tpu.dynamic_gather %select_n3A[%gather3A] in [0] : vector<16xi32>, vector<16xi32> -> vector<16xi32>
      %add3A_30 = arith.addi %select_n3A, %gather3A_29 : vector<16xi32>
      %xor3A_31 = arith.constant 2 : i32
      %xor3A_32 = vector.broadcast %xor3A_31 : i32 to vector<16xi32>
      %xor3A_33 = arith.xori %iota3A, %xor3A_32 : vector<16xi32>
      %lt3A_34 = arith.constant 0 : i32
      %lt3A_35 = vector.broadcast %lt3A_34 : i32 to vector<16xi32>
      %lt3A_36 = arith.cmpi slt, %xor3A_33, %lt3A_35 : vector<16xi32>
      %add3A_37 = arith.constant 16 : i32
      %add3A_38 = vector.broadcast %add3A_37 : i32 to vector<16xi32>
      %add3A_39 = arith.addi %xor3A_33, %add3A_38 : vector<16xi32>
      %select_n3A_40 = arith.select %lt3A_36, %add3A_39, %xor3A_33 : vector<16xi1>, vector<16xi32>
      %broadcast_in_dim3A_41 = vector.shape_cast %select_n3A_40 : vector<16xi32> to vector<16x1xi32>
      %gather3A_42 = vector.shape_cast %broadcast_in_dim3A_41 : vector<16x1xi32> to vector<16xi32>
      %gather3A_43 = tpu.dynamic_gather %add3A_30[%gather3A_42] in [0] : vector<16xi32>, vector<16xi32> -> vector<16xi32>
      %add3A_44 = arith.addi %add3A_30, %gather3A_43 : vector<16xi32>
      %xor3A_45 = arith.constant 4 : i32
      %xor3A_46 = vector.broadcast %xor3A_45 : i32 to vector<16xi32>
      %xor3A_47 = arith.xori %iota3A, %xor3A_46 : vector<16xi32>
      %lt3A_48 = arith.constant 0 : i32
      %lt3A_49 = vector.broadcast %lt3A_48 : i32 to vector<16xi32>
      %lt3A_50 = arith.cmpi slt, %xor3A_47, %lt3A_49 : vector<16xi32>
      %add3A_51 = arith.constant 16 : i32
      %add3A_52 = vector.broadcast %add3A_51 : i32 to vector<16xi32>
      %add3A_53 = arith.addi %xor3A_47, %add3A_52 : vector<16xi32>
      %select_n3A_54 = arith.select %lt3A_50, %add3A_53, %xor3A_47 : vector<16xi1>, vector<16xi32>
      %broadcast_in_dim3A_55 = vector.shape_cast %select_n3A_54 : vector<16xi32> to vector<16x1xi32>
      %gather3A_56 = vector.shape_cast %broadcast_in_dim3A_55 : vector<16x1xi32> to vector<16xi32>
      %gather3A_57 = tpu.dynamic_gather %add3A_44[%gather3A_56] in [0] : vector<16xi32>, vector<16xi32> -> vector<16xi32>
      %add3A_58 = arith.addi %add3A_44, %gather3A_57 : vector<16xi32>
      %xor3A_59 = arith.constant 8 : i32
      %xor3A_60 = vector.broadcast %xor3A_59 : i32 to vector<16xi32>
      %xor3A_61 = arith.xori %iota3A, %xor3A_60 : vector<16xi32>
      %lt3A_62 = arith.constant 0 : i32
      %lt3A_63 = vector.broadcast %lt3A_62 : i32 to vector<16xi32>
      %lt3A_64 = arith.cmpi slt, %xor3A_61, %lt3A_63 : vector<16xi32>
      %add3A_65 = arith.constant 16 : i32
      %add3A_66 = vector.broadcast %add3A_65 : i32 to vector<16xi32>
      %add3A_67 = arith.addi %xor3A_61, %add3A_66 : vector<16xi32>
      %select_n3A_68 = arith.select %lt3A_64, %add3A_67, %xor3A_61 : vector<16xi1>, vector<16xi32>
      %broadcast_in_dim3A_69 = vector.shape_cast %select_n3A_68 : vector<16xi32> to vector<16x1xi32>
      %gather3A_70 = vector.shape_cast %broadcast_in_dim3A_69 : vector<16x1xi32> to vector<16xi32>
      %gather3A_71 = tpu.dynamic_gather %add3A_58[%gather3A_70] in [0] : vector<16xi32>, vector<16xi32> -> vector<16xi32>
      %add3A_72 = arith.addi %add3A_58, %gather3A_71 : vector<16xi32>
      %slice3A = vector.extract_strided_slice %add3A_72 {offsets = [0], sizes = [1], strides = [1]} : vector<16xi32> to vector<1xi32>
      %squeeze3A = vector.extract %slice3A[0] : i32 from vector<1xi32>
      %and3A_73 = arith.constant 15 : i32
      %and3A_74 = arith.andi %squeeze3A, %and3A_73 : i32
      %sub3A_75 = arith.subi %squeeze3A, %and3A_74 : i32
      %get3A_76 = arith.index_cast %sub3A_75 : i32 to index
      %get3A_77 = tpu.vector_load %arg5[%get3A_76] {strides = array<i32>} : memref<100000xf32, #tpu.memory_space<vmem>>, vector<16xf32>,
      %get3A_78 = vector.shape_cast %get3A_77 : vector<16xf32> to vector<16xf32>
      %broadcast_in_dim3A_79 = vector.broadcast %and3A_74 : i32 to vector<16xi32>
      %lt3A_80 = arith.constant 0 : i32
      %lt3A_81 = vector.broadcast %lt3A_80 : i32 to vector<16xi32>
      %lt3A_82 = arith.cmpi slt, %broadcast_in_dim3A_79, %lt3A_81 : vector<16xi32>
      %add3A_83 = arith.constant 16 : i32
      %add3A_84 = vector.broadcast %add3A_83 : i32 to vector<16xi32>
      %add3A_85 = arith.addi %broadcast_in_dim3A_79, %add3A_84 : vector<16xi32>
      %select_n3A_86 = arith.select %lt3A_82, %add3A_85, %broadcast_in_dim3A_79 : vector<16xi1>, vector<16xi32>
      %broadcast_in_dim3A_87 = vector.shape_cast %select_n3A_86 : vector<16xi32> to vector<16x1xi32>
      %gather3A_88 = vector.shape_cast %broadcast_in_dim3A_87 : vector<16x1xi32> to vector<16xi32>
      %gather3A_89 = tpu.dynamic_gather %get3A_78[%gather3A_88] in [0] : vector<16xf32>, vector<16xi32> -> vector<16xf32>
      %swap3A = arith.constant 0 : i32
      %swap3A_90 = arith.index_cast %swap3A : i32 to index
      %swap3A_91 = arith.constant 0 : index
      %swap3A_92 = tpu.vector_load %arg7[%swap3A_90, %swap3A_91] {strides = array<i32>} : memref<5x16xf32, #tpu.memory_space<vmem>>, vector<1x16xf32>,
      %swap3A_93 = vector.shape_cast %swap3A_92 : vector<1x16xf32> to vector<16xf32>
      %swap3A_94 = vector.shape_cast %broadcast_in_dim3A_3 : vector<16xf32> to vector<1x16xf32>
      tpu.vector_store %arg7[%swap3A_90, %swap3A_91], %swap3A_94 {strides = array<i32>} : memref<5x16xf32, #tpu.memory_space<vmem>>, vector<1x16xf32>,
      %swap3A_95 = arith.constant 1 : i32
      %swap3A_96 = arith.index_cast %swap3A_95 : i32 to index
      %swap3A_97 = arith.constant 0 : index
      %swap3A_98 = tpu.vector_load %arg7[%swap3A_96, %swap3A_97] {strides = array<i32>} : memref<5x16xf32, #tpu.memory_space<vmem>>, vector<1x16xf32>,
      %swap3A_99 = vector.shape_cast %swap3A_98 : vector<1x16xf32> to vector<16xf32>
      %swap3A_100 = vector.shape_cast %broadcast_in_dim3A_3 : vector<16xf32> to vector<1x16xf32>
      tpu.vector_store %arg7[%swap3A_96, %swap3A_97], %swap3A_100 {strides = array<i32>} : memref<5x16xf32, #tpu.memory_space<vmem>>, vector<1x16xf32>,
      %swap3A_101 = arith.constant 2 : i32
      %swap3A_102 = arith.index_cast %swap3A_101 : i32 to index
      %swap3A_103 = arith.constant 0 : index
      %swap3A_104 = tpu.vector_load %arg7[%swap3A_102, %swap3A_103] {strides = array<i32>} : memref<5x16xf32, #tpu.memory_space<vmem>>, vector<1x16xf32>,
      %swap3A_105 = vector.shape_cast %swap3A_104 : vector<1x16xf32> to vector<16xf32>
      %swap3A_106 = vector.shape_cast %broadcast_in_dim3A_3 : vector<16xf32> to vector<1x16xf32>
      tpu.vector_store %arg7[%swap3A_102, %swap3A_103], %swap3A_106 {strides = array<i32>} : memref<5x16xf32, #tpu.memory_space<vmem>>, vector<1x16xf32>,
      %swap3A_107 = arith.constant 3 : i32
      %swap3A_108 = arith.index_cast %swap3A_107 : i32 to index
      %swap3A_109 = arith.constant 0 : index
      %swap3A_110 = tpu.vector_load %arg7[%swap3A_108, %swap3A_109] {strides = array<i32>} : memref<5x16xf32, #tpu.memory_space<vmem>>, vector<1x16xf32>,
      %swap3A_111 = vector.shape_cast %swap3A_110 : vector<1x16xf32> to vector<16xf32>
      %swap3A_112 = vector.shape_cast %broadcast_in_dim3A_3 : vector<16xf32> to vector<1x16xf32>
      tpu.vector_store %arg7[%swap3A_108, %swap3A_109], %swap3A_112 {strides = array<i32>} : memref<5x16xf32, #tpu.memory_space<vmem>>, vector<1x16xf32>,
      %swap3A_113 = arith.constant 4 : i32
      %swap3A_114 = arith.index_cast %swap3A_113 : i32 to index
      %swap3A_115 = arith.constant 0 : index
      %swap3A_116 = tpu.vector_load %arg7[%swap3A_114, %swap3A_115] {strides = array<i32>} : memref<5x16xf32, #tpu.memory_space<vmem>>, vector<1x16xf32>,
      %swap3A_117 = vector.shape_cast %swap3A_116 : vector<1x16xf32> to vector<16xf32>
      %swap3A_118 = vector.shape_cast %broadcast_in_dim3A_3 : vector<16xf32> to vector<1x16xf32>
      tpu.vector_store %arg7[%swap3A_114, %swap3A_115], %swap3A_118 {strides = array<i32>} : memref<5x16xf32, #tpu.memory_space<vmem>>, vector<1x16xf32>,
      %broadcast_in_dim3A_119 = arith.constant 0.000000e+00 : f32
      %broadcast_in_dim3A_120 = vector.broadcast %broadcast_in_dim3A_119 : f32 to vector<16xf32>
      %scan3A_121 = arith.constant 0 : i32
      %scan3A_122 = arith.constant 250 : i32
      %scan3A_123 = arith.addi %scan3A_121, %scan3A_122 : i32
      %scan3A_124 = arith.constant 1 : i32
      %scan3A_125:4 = scf.for %scan3A_233 = %scan3A_121 to %scan3A_123 step %scan3A_124 iter_args(%scan3A_234 = %broadcast_in_dim3A_120, %scan3A_235 = %broadcast_in_dim3A_120, %scan3A_236 = %broadcast_in_dim3A_120, %scan3A_237 = %broadcast_in_dim3A_120) -> (vector<16xf32>, vector<16xf32>, vector<16xf32>, vector<16xf32>)  : i32 {
        %mul3A_238 = arith.constant 400 : i32
        %mul3A_239 = arith.muli %scan3A_233, %mul3A_238 : i32
        %add3A_240 = arith.constant 0 : i32
        %add3A_241 = arith.addi %mul3A_239, %add3A_240 : i32
        %get3A_242 = arith.index_cast %add3A_241 : i32 to index
        %get3A_243 = tpu.vector_load %arg5[%get3A_242] {strides = array<i32>} : memref<100000xf32, #tpu.memory_space<vmem>>, vector<16xf32>,
        %get3A_244 = vector.shape_cast %get3A_243 : vector<16xf32> to vector<16xf32>
        %exp3A_245 = math.exp %get3A_244 : vector<16xf32>
        %add3A_246 = arith.addf %scan3A_234, %exp3A_245 : vector<16xf32>
        %max3A = arith.maximumf %broadcast_in_dim3A_3, %get3A_244 : vector<16xf32>
        %add3A_247 = arith.constant 16 : i32
        %add3A_248 = arith.addi %mul3A_239, %add3A_247 : i32
        %get3A_249 = arith.index_cast %add3A_248 : i32 to index
        %get3A_250 = tpu.vector_load %arg5[%get3A_249] {strides = array<i32>} : memref<100000xf32, #tpu.memory_space<vmem>>, vector<16xf32>,
        %get3A_251 = vector.shape_cast %get3A_250 : vector<16xf32> to vector<16xf32>
        %exp3A_252 = math.exp %get3A_251 : vector<16xf32>
        %add3A_253 = arith.addf %scan3A_235, %exp3A_252 : vector<16xf32>
        %max3A_254 = arith.maximumf %broadcast_in_dim3A_3, %get3A_251 : vector<16xf32>
        %add3A_255 = arith.constant 32 : i32
        %add3A_256 = arith.addi %mul3A_239, %add3A_255 : i32
        %get3A_257 = arith.index_cast %add3A_256 : i32 to index
        %get3A_258 = tpu.vector_load %arg5[%get3A_257] {strides = array<i32>} : memref<100000xf32, #tpu.memory_space<vmem>>, vector<16xf32>,
        %get3A_259 = vector.shape_cast %get3A_258 : vector<16xf32> to vector<16xf32>
        %exp3A_260 = math.exp %get3A_259 : vector<16xf32>
        %add3A_261 = arith.addf %scan3A_236, %exp3A_260 : vector<16xf32>
        %max3A_262 = arith.maximumf %max3A, %get3A_259 : vector<16xf32>
        %add3A_263 = arith.constant 48 : i32
        %add3A_264 = arith.addi %mul3A_239, %add3A_263 : i32
        %get3A_265 = arith.index_cast %add3A_264 : i32 to index
        %get3A_266 = tpu.vector_load %arg5[%get3A_265] {strides = array<i32>} : memref<100000xf32, #tpu.memory_space<vmem>>, vector<16xf32>,
        %get3A_267 = vector.shape_cast %get3A_266 : vector<16xf32> to vector<16xf32>
        %exp3A_268 = math.exp %get3A_267 : vector<16xf32>
        %add3A_269 = arith.addf %scan3A_237, %exp3A_268 : vector<16xf32>
        %max3A_270 = arith.maximumf %max3A_254, %get3A_267 : vector<16xf32>
        %add3A_271 = arith.constant 64 : i32
        %add3A_272 = arith.addi %mul3A_239, %add3A_271 : i32
        %get3A_273 = arith.index_cast %add3A_272 : i32 to index
        %get3A_274 = tpu.vector_load %arg5[%get3A_273] {strides = array<i32>} : memref<100000xf32, #tpu.memory_space<vmem>>, vector<16xf32>,
        %get3A_275 = vector.shape_cast %get3A_274 : vector<16xf32> to vector<16xf32>
        %exp3A_276 = math.exp %get3A_275 : vector<16xf32>
        %add3A_277 = arith.addf %add3A_246, %exp3A_276 : vector<16xf32>
        %max3A_278 = arith.maximumf %max3A_262, %get3A_275 : vector<16xf32>
        %add3A_279 = arith.constant 80 : i32
        %add3A_280 = arith.addi %mul3A_239, %add3A_279 : i32
        %get3A_281 = arith.index_cast %add3A_280 : i32 to index
        %get3A_282 = tpu.vector_load %arg5[%get3A_281] {strides = array<i32>} : memref<100000xf32, #tpu.memory_space<vmem>>, vector<16xf32>,
        %get3A_283 = vector.shape_cast %get3A_282 : vector<16xf32> to vector<16xf32>
        %exp3A_284 = math.exp %get3A_283 : vector<16xf32>
        %add3A_285 = arith.addf %add3A_253, %exp3A_284 : vector<16xf32>
        %max3A_286 = arith.maximumf %max3A_270, %get3A_283 : vector<16xf32>
        %add3A_287 = arith.constant 96 : i32
        %add3A_288 = arith.addi %mul3A_239, %add3A_287 : i32
        %get3A_289 = arith.index_cast %add3A_288 : i32 to index
        %get3A_290 = tpu.vector_load %arg5[%get3A_289] {strides = array<i32>} : memref<100000xf32, #tpu.memory_space<vmem>>, vector<16xf32>,
        %get3A_291 = vector.shape_cast %get3A_290 : vector<16xf32> to vector<16xf32>
        %exp3A_292 = math.exp %get3A_291 : vector<16xf32>
        %add3A_293 = arith.addf %add3A_261, %exp3A_292 : vector<16xf32>
        %max3A_294 = arith.maximumf %max3A_278, %get3A_291 : vector<16xf32>
        %add3A_295 = arith.constant 112 : i32
        %add3A_296 = arith.addi %mul3A_239, %add3A_295 : i32
        %get3A_297 = arith.index_cast %add3A_296 : i32 to index
        %get3A_298 = tpu.vector_load %arg5[%get3A_297] {strides = array<i32>} : memref<100000xf32, #tpu.memory_space<vmem>>, vector<16xf32>,
        %get3A_299 = vector.shape_cast %get3A_298 : vector<16xf32> to vector<16xf32>
        %exp3A_300 = math.exp %get3A_299 : vector<16xf32>
        %add3A_301 = arith.addf %add3A_269, %exp3A_300 : vector<16xf32>
        %max3A_302 = arith.maximumf %max3A_286, %get3A_299 : vector<16xf32>
        %add3A_303 = arith.constant 128 : i32
        %add3A_304 = arith.addi %mul3A_239, %add3A_303 : i32
        %get3A_305 = arith.index_cast %add3A_304 : i32 to index
        %get3A_306 = tpu.vector_load %arg5[%get3A_305] {strides = array<i32>} : memref<100000xf32, #tpu.memory_space<vmem>>, vector<16xf32>,
        %get3A_307 = vector.shape_cast %get3A_306 : vector<16xf32> to vector<16xf32>
        %exp3A_308 = math.exp %get3A_307 : vector<16xf32>
        %add3A_309 = arith.addf %add3A_277, %exp3A_308 : vector<16xf32>
        %max3A_310 = arith.maximumf %max3A_294, %get3A_307 : vector<16xf32>
        %add3A_311 = arith.constant 144 : i32
        %add3A_312 = arith.addi %mul3A_239, %add3A_311 : i32
        %get3A_313 = arith.index_cast %add3A_312 : i32 to index
        %get3A_314 = tpu.vector_load %arg5[%get3A_313] {strides = array<i32>} : memref<100000xf32, #tpu.memory_space<vmem>>, vector<16xf32>,
        %get3A_315 = vector.shape_cast %get3A_314 : vector<16xf32> to vector<16xf32>
        %exp3A_316 = math.exp %get3A_315 : vector<16xf32>
        %add3A_317 = arith.addf %add3A_285, %exp3A_316 : vector<16xf32>
        %max3A_318 = arith.maximumf %max3A_302, %get3A_315 : vector<16xf32>
        %add3A_319 = arith.constant 160 : i32
        %add3A_320 = arith.addi %mul3A_239, %add3A_319 : i32
        %get3A_321 = arith.index_cast %add3A_320 : i32 to index
        %get3A_322 = tpu.vector_load %arg5[%get3A_321] {strides = array<i32>} : memref<100000xf32, #tpu.memory_space<vmem>>, vector<16xf32>,
        %get3A_323 = vector.shape_cast %get3A_322 : vector<16xf32> to vector<16xf32>
        %exp3A_324 = math.exp %get3A_323 : vector<16xf32>
        %add3A_325 = arith.addf %add3A_293, %exp3A_324 : vector<16xf32>
        %max3A_326 = arith.maximumf %max3A_310, %get3A_323 : vector<16xf32>
        %add3A_327 = arith.constant 176 : i32
        %add3A_328 = arith.addi %mul3A_239, %add3A_327 : i32
        %get3A_329 = arith.index_cast %add3A_328 : i32 to index
        %get3A_330 = tpu.vector_load %arg5[%get3A_329] {strides = array<i32>} : memref<100000xf32, #tpu.memory_space<vmem>>, vector<16xf32>,
        %get3A_331 = vector.shape_cast %get3A_330 : vector<16xf32> to vector<16xf32>
        %exp3A_332 = math.exp %get3A_331 : vector<16xf32>
        %add3A_333 = arith.addf %add3A_301, %exp3A_332 : vector<16xf32>
        %max3A_334 = arith.maximumf %max3A_318, %get3A_331 : vector<16xf32>
        %add3A_335 = arith.constant 192 : i32
        %add3A_336 = arith.addi %mul3A_239, %add3A_335 : i32
        %get3A_337 = arith.index_cast %add3A_336 : i32 to index
        %get3A_338 = tpu.vector_load %arg5[%get3A_337] {strides = array<i32>} : memref<100000xf32, #tpu.memory_space<vmem>>, vector<16xf32>,
        %get3A_339 = vector.shape_cast %get3A_338 : vector<16xf32> to vector<16xf32>
        %exp3A_340 = math.exp %get3A_339 : vector<16xf32>
        %add3A_341 = arith.addf %add3A_309, %exp3A_340 : vector<16xf32>
        %max3A_342 = arith.maximumf %max3A_326, %get3A_339 : vector<16xf32>
        %add3A_343 = arith.constant 208 : i32
        %add3A_344 = arith.addi %mul3A_239, %add3A_343 : i32
        %get3A_345 = arith.index_cast %add3A_344 : i32 to index
        %get3A_346 = tpu.vector_load %arg5[%get3A_345] {strides = array<i32>} : memref<100000xf32, #tpu.memory_space<vmem>>, vector<16xf32>,
        %get3A_347 = vector.shape_cast %get3A_346 : vector<16xf32> to vector<16xf32>
        %exp3A_348 = math.exp %get3A_347 : vector<16xf32>
        %add3A_349 = arith.addf %add3A_317, %exp3A_348 : vector<16xf32>
        %max3A_350 = arith.maximumf %max3A_334, %get3A_347 : vector<16xf32>
        %add3A_351 = arith.constant 224 : i32
        %add3A_352 = arith.addi %mul3A_239, %add3A_351 : i32
        %get3A_353 = arith.index_cast %add3A_352 : i32 to index
        %get3A_354 = tpu.vector_load %arg5[%get3A_353] {strides = array<i32>} : memref<100000xf32, #tpu.memory_space<vmem>>, vector<16xf32>,
        %get3A_355 = vector.shape_cast %get3A_354 : vector<16xf32> to vector<16xf32>
        %exp3A_356 = math.exp %get3A_355 : vector<16xf32>
        %add3A_357 = arith.addf %add3A_325, %exp3A_356 : vector<16xf32>
        %max3A_358 = arith.maximumf %max3A_342, %get3A_355 : vector<16xf32>
        %add3A_359 = arith.constant 240 : i32
        %add3A_360 = arith.addi %mul3A_239, %add3A_359 : i32
        %get3A_361 = arith.index_cast %add3A_360 : i32 to index
        %get3A_362 = tpu.vector_load %arg5[%get3A_361] {strides = array<i32>} : memref<100000xf32, #tpu.memory_space<vmem>>, vector<16xf32>,
        %get3A_363 = vector.shape_cast %get3A_362 : vector<16xf32> to vector<16xf32>
        %exp3A_364 = math.exp %get3A_363 : vector<16xf32>
        %add3A_365 = arith.addf %add3A_333, %exp3A_364 : vector<16xf32>
        %max3A_366 = arith.maximumf %max3A_350, %get3A_363 : vector<16xf32>
        %add3A_367 = arith.constant 256 : i32
        %add3A_368 = arith.addi %mul3A_239, %add3A_367 : i32
        %get3A_369 = arith.index_cast %add3A_368 : i32 to index
        %get3A_370 = tpu.vector_load %arg5[%get3A_369] {strides = array<i32>} : memref<100000xf32, #tpu.memory_space<vmem>>, vector<16xf32>,
        %get3A_371 = vector.shape_cast %get3A_370 : vector<16xf32> to vector<16xf32>
        %exp3A_372 = math.exp %get3A_371 : vector<16xf32>
        %add3A_373 = arith.addf %add3A_341, %exp3A_372 : vector<16xf32>
        %max3A_374 = arith.maximumf %max3A_358, %get3A_371 : vector<16xf32>
        %add3A_375 = arith.constant 272 : i32
        %add3A_376 = arith.addi %mul3A_239, %add3A_375 : i32
        %get3A_377 = arith.index_cast %add3A_376 : i32 to index
        %get3A_378 = tpu.vector_load %arg5[%get3A_377] {strides = array<i32>} : memref<100000xf32, #tpu.memory_space<vmem>>, vector<16xf32>,
        %get3A_379 = vector.shape_cast %get3A_378 : vector<16xf32> to vector<16xf32>
        %exp3A_380 = math.exp %get3A_379 : vector<16xf32>
        %add3A_381 = arith.addf %add3A_349, %exp3A_380 : vector<16xf32>
        %max3A_382 = arith.maximumf %max3A_366, %get3A_379 : vector<16xf32>
        %add3A_383 = arith.constant 288 : i32
        %add3A_384 = arith.addi %mul3A_239, %add3A_383 : i32
        %get3A_385 = arith.index_cast %add3A_384 : i32 to index
        %get3A_386 = tpu.vector_load %arg5[%get3A_385] {strides = array<i32>} : memref<100000xf32, #tpu.memory_space<vmem>>, vector<16xf32>,
        %get3A_387 = vector.shape_cast %get3A_386 : vector<16xf32> to vector<16xf32>
        %exp3A_388 = math.exp %get3A_387 : vector<16xf32>
        %add3A_389 = arith.addf %add3A_357, %exp3A_388 : vector<16xf32>
        %max3A_390 = arith.maximumf %max3A_374, %get3A_387 : vector<16xf32>
        %add3A_391 = arith.constant 304 : i32
        %add3A_392 = arith.addi %mul3A_239, %add3A_391 : i32
        %get3A_393 = arith.index_cast %add3A_392 : i32 to index
        %get3A_394 = tpu.vector_load %arg5[%get3A_393] {strides = array<i32>} : memref<100000xf32, #tpu.memory_space<vmem>>, vector<16xf32>,
        %get3A_395 = vector.shape_cast %get3A_394 : vector<16xf32> to vector<16xf32>
        %exp3A_396 = math.exp %get3A_395 : vector<16xf32>
        %add3A_397 = arith.addf %add3A_365, %exp3A_396 : vector<16xf32>
        %max3A_398 = arith.maximumf %max3A_382, %get3A_395 : vector<16xf32>
        %add3A_399 = arith.constant 320 : i32
        %add3A_400 = arith.addi %mul3A_239, %add3A_399 : i32
        %get3A_401 = arith.index_cast %add3A_400 : i32 to index
        %get3A_402 = tpu.vector_load %arg5[%get3A_401] {strides = array<i32>} : memref<100000xf32, #tpu.memory_space<vmem>>, vector<16xf32>,
        %get3A_403 = vector.shape_cast %get3A_402 : vector<16xf32> to vector<16xf32>
        %exp3A_404 = math.exp %get3A_403 : vector<16xf32>
        %add3A_405 = arith.addf %add3A_373, %exp3A_404 : vector<16xf32>
        %max3A_406 = arith.maximumf %max3A_390, %get3A_403 : vector<16xf32>
        %add3A_407 = arith.constant 336 : i32
        %add3A_408 = arith.addi %mul3A_239, %add3A_407 : i32
        %get3A_409 = arith.index_cast %add3A_408 : i32 to index
        %get3A_410 = tpu.vector_load %arg5[%get3A_409] {strides = array<i32>} : memref<100000xf32, #tpu.memory_space<vmem>>, vector<16xf32>,
        %get3A_411 = vector.shape_cast %get3A_410 : vector<16xf32> to vector<16xf32>
        %exp3A_412 = math.exp %get3A_411 : vector<16xf32>
        %add3A_413 = arith.addf %add3A_381, %exp3A_412 : vector<16xf32>
        %max3A_414 = arith.maximumf %max3A_398, %get3A_411 : vector<16xf32>
        %add3A_415 = arith.constant 352 : i32
        %add3A_416 = arith.addi %mul3A_239, %add3A_415 : i32
        %get3A_417 = arith.index_cast %add3A_416 : i32 to index
        %get3A_418 = tpu.vector_load %arg5[%get3A_417] {strides = array<i32>} : memref<100000xf32, #tpu.memory_space<vmem>>, vector<16xf32>,
        %get3A_419 = vector.shape_cast %get3A_418 : vector<16xf32> to vector<16xf32>
        %exp3A_420 = math.exp %get3A_419 : vector<16xf32>
        %add3A_421 = arith.addf %add3A_389, %exp3A_420 : vector<16xf32>
        %max3A_422 = arith.maximumf %max3A_406, %get3A_419 : vector<16xf32>
        %add3A_423 = arith.constant 368 : i32
        %add3A_424 = arith.addi %mul3A_239, %add3A_423 : i32
        %get3A_425 = arith.index_cast %add3A_424 : i32 to index
        %get3A_426 = tpu.vector_load %arg5[%get3A_425] {strides = array<i32>} : memref<100000xf32, #tpu.memory_space<vmem>>, vector<16xf32>,
        %get3A_427 = vector.shape_cast %get3A_426 : vector<16xf32> to vector<16xf32>
        %exp3A_428 = math.exp %get3A_427 : vector<16xf32>
        %add3A_429 = arith.addf %add3A_397, %exp3A_428 : vector<16xf32>
        %max3A_430 = arith.maximumf %max3A_414, %get3A_427 : vector<16xf32>
        %add3A_431 = arith.constant 384 : i32
        %add3A_432 = arith.addi %mul3A_239, %add3A_431 : i32
        %get3A_433 = arith.index_cast %add3A_432 : i32 to index
        %get3A_434 = tpu.vector_load %arg5[%get3A_433] {strides = array<i32>} : memref<100000xf32, #tpu.memory_space<vmem>>, vector<16xf32>,
        %get3A_435 = vector.shape_cast %get3A_434 : vector<16xf32> to vector<16xf32>
        %exp3A_436 = math.exp %get3A_435 : vector<16xf32>
        %add3A_437 = arith.addf %add3A_405, %exp3A_436 : vector<16xf32>
        %max3A_438 = arith.maximumf %max3A_422, %get3A_435 : vector<16xf32>
        %max3A_439 = arith.maximumf %max3A_438, %max3A_430 : vector<16xf32>
        %xor3A_440 = arith.constant 1 : i32
        %xor3A_441 = vector.broadcast %xor3A_440 : i32 to vector<16xi32>
        %xor3A_442 = arith.xori %iota3A, %xor3A_441 : vector<16xi32>
        %lt3A_443 = arith.constant 0 : i32
        %lt3A_444 = vector.broadcast %lt3A_443 : i32 to vector<16xi32>
        %lt3A_445 = arith.cmpi slt, %xor3A_442, %lt3A_444 : vector<16xi32>
        %add3A_446 = arith.constant 16 : i32
        %add3A_447 = vector.broadcast %add3A_446 : i32 to vector<16xi32>
        %add3A_448 = arith.addi %xor3A_442, %add3A_447 : vector<16xi32>
        %select_n3A_449 = arith.select %lt3A_445, %add3A_448, %xor3A_442 : vector<16xi1>, vector<16xi32>
        %broadcast_in_dim3A_450 = vector.shape_cast %select_n3A_449 : vector<16xi32> to vector<16x1xi32>
        %gather3A_451 = vector.shape_cast %broadcast_in_dim3A_450 : vector<16x1xi32> to vector<16xi32>
        %gather3A_452 = tpu.dynamic_gather %max3A_439[%gather3A_451] in [0] : vector<16xf32>, vector<16xi32> -> vector<16xf32>
        %max3A_453 = arith.maximumf %max3A_439, %gather3A_452 : vector<16xf32>
        %xor3A_454 = arith.constant 2 : i32
        %xor3A_455 = vector.broadcast %xor3A_454 : i32 to vector<16xi32>
        %xor3A_456 = arith.xori %iota3A, %xor3A_455 : vector<16xi32>
        %lt3A_457 = arith.constant 0 : i32
        %lt3A_458 = vector.broadcast %lt3A_457 : i32 to vector<16xi32>
        %lt3A_459 = arith.cmpi slt, %xor3A_456, %lt3A_458 : vector<16xi32>
        %add3A_460 = arith.constant 16 : i32
        %add3A_461 = vector.broadcast %add3A_460 : i32 to vector<16xi32>
        %add3A_462 = arith.addi %xor3A_456, %add3A_461 : vector<16xi32>
        %select_n3A_463 = arith.select %lt3A_459, %add3A_462, %xor3A_456 : vector<16xi1>, vector<16xi32>
        %broadcast_in_dim3A_464 = vector.shape_cast %select_n3A_463 : vector<16xi32> to vector<16x1xi32>
        %gather3A_465 = vector.shape_cast %broadcast_in_dim3A_464 : vector<16x1xi32> to vector<16xi32>
        %gather3A_466 = tpu.dynamic_gather %max3A_453[%gather3A_465] in [0] : vector<16xf32>, vector<16xi32> -> vector<16xf32>
        %max3A_467 = arith.maximumf %max3A_453, %gather3A_466 : vector<16xf32>
        %xor3A_468 = arith.constant 4 : i32
        %xor3A_469 = vector.broadcast %xor3A_468 : i32 to vector<16xi32>
        %xor3A_470 = arith.xori %iota3A, %xor3A_469 : vector<16xi32>
        %lt3A_471 = arith.constant 0 : i32
        %lt3A_472 = vector.broadcast %lt3A_471 : i32 to vector<16xi32>
        %lt3A_473 = arith.cmpi slt, %xor3A_470, %lt3A_472 : vector<16xi32>
        %add3A_474 = arith.constant 16 : i32
        %add3A_475 = vector.broadcast %add3A_474 : i32 to vector<16xi32>
        %add3A_476 = arith.addi %xor3A_470, %add3A_475 : vector<16xi32>
        %select_n3A_477 = arith.select %lt3A_473, %add3A_476, %xor3A_470 : vector<16xi1>, vector<16xi32>
        %broadcast_in_dim3A_478 = vector.shape_cast %select_n3A_477 : vector<16xi32> to vector<16x1xi32>
        %gather3A_479 = vector.shape_cast %broadcast_in_dim3A_478 : vector<16x1xi32> to vector<16xi32>
        %gather3A_480 = tpu.dynamic_gather %max3A_467[%gather3A_479] in [0] : vector<16xf32>, vector<16xi32> -> vector<16xf32>
        %max3A_481 = arith.maximumf %max3A_467, %gather3A_480 : vector<16xf32>
        %xor3A_482 = arith.constant 8 : i32
        %xor3A_483 = vector.broadcast %xor3A_482 : i32 to vector<16xi32>
        %xor3A_484 = arith.xori %iota3A, %xor3A_483 : vector<16xi32>
        %lt3A_485 = arith.constant 0 : i32
        %lt3A_486 = vector.broadcast %lt3A_485 : i32 to vector<16xi32>
        %lt3A_487 = arith.cmpi slt, %xor3A_484, %lt3A_486 : vector<16xi32>
        %add3A_488 = arith.constant 16 : i32
        %add3A_489 = vector.broadcast %add3A_488 : i32 to vector<16xi32>
        %add3A_490 = arith.addi %xor3A_484, %add3A_489 : vector<16xi32>
        %select_n3A_491 = arith.select %lt3A_487, %add3A_490, %xor3A_484 : vector<16xi1>, vector<16xi32>
        %broadcast_in_dim3A_492 = vector.shape_cast %select_n3A_491 : vector<16xi32> to vector<16x1xi32>
        %gather3A_493 = vector.shape_cast %broadcast_in_dim3A_492 : vector<16x1xi32> to vector<16xi32>
        %gather3A_494 = tpu.dynamic_gather %max3A_481[%gather3A_493] in [0] : vector<16xf32>, vector<16xi32> -> vector<16xf32>
        %max3A_495 = arith.maximumf %max3A_481, %gather3A_494 : vector<16xf32>
        %slice3A_496 = vector.extract_strided_slice %max3A_495 {offsets = [0], sizes = [1], strides = [1]} : vector<16xf32> to vector<1xf32>
        %squeeze3A_497 = vector.extract %slice3A_496[0] : f32 from vector<1xf32>
        %get3A_498 = arith.constant 4 : i32
        %get3A_499 = arith.index_cast %get3A_498 : i32 to index
        %get3A_500 = arith.constant 0 : index
        %get3A_501 = tpu.vector_load %arg7[%get3A_499, %get3A_500] {strides = array<i32>} : memref<5x16xf32, #tpu.memory_space<vmem>>, vector<1x16xf32>,
        %get3A_502 = vector.shape_cast %get3A_501 : vector<1x16xf32> to vector<16xf32>
        %slice3A_503 = vector.extract_strided_slice %get3A_502 {offsets = [0], sizes = [1], strides = [1]} : vector<16xf32> to vector<1xf32>
        %squeeze3A_504 = vector.extract %slice3A_503[0] : f32 from vector<1xf32>
        %ge3A_505 = arith.cmpf oge, %squeeze3A_497, %squeeze3A_504 : f32
        %convert_element_type3A = arith.extui %ge3A_505 : i1 to i32
        %cond3A = arith.constant 0 : i32
        %cond3A_506 = arith.cmpi ne, %convert_element_type3A, %cond3A : i32
        scf.if %cond3A_506 {
          %add3A_507 = arith.constant 0 : i32
          %add3A_508 = arith.addi %mul3A_239, %add3A_507 : i32
          %get3A_509 = arith.index_cast %add3A_508 : i32 to index
          %get3A_510 = tpu.vector_load %arg5[%get3A_509] {strides = array<i32>} : memref<100000xf32, #tpu.memory_space<vmem>>, vector<16xf32>,
          %get3A_511 = vector.shape_cast %get3A_510 : vector<16xf32> to vector<16xf32>
          %min3A = arith.minimumf %broadcast_in_dim3A_3, %get3A_511 : vector<16xf32>
          %max3A_512 = arith.maximumf %broadcast_in_dim3A_3, %get3A_511 : vector<16xf32>
          %min3A_513 = arith.minimumf %broadcast_in_dim3A_3, %min3A : vector<16xf32>
          %max3A_514 = arith.maximumf %broadcast_in_dim3A_3, %min3A : vector<16xf32>
          %min3A_515 = arith.minimumf %broadcast_in_dim3A_3, %min3A_513 : vector<16xf32>
          %max3A_516 = arith.maximumf %broadcast_in_dim3A_3, %min3A_513 : vector<16xf32>
          %min3A_517 = arith.minimumf %broadcast_in_dim3A_3, %min3A_515 : vector<16xf32>
          %max3A_518 = arith.maximumf %broadcast_in_dim3A_3, %min3A_515 : vector<16xf32>
          %max3A_519 = arith.maximumf %broadcast_in_dim3A_3, %min3A_517 : vector<16xf32>
          %add3A_520 = arith.constant 16 : i32
          %add3A_521 = arith.addi %mul3A_239, %add3A_520 : i32
          %get3A_522 = arith.index_cast %add3A_521 : i32 to index
          %get3A_523 = tpu.vector_load %arg5[%get3A_522] {strides = array<i32>} : memref<100000xf32, #tpu.memory_space<vmem>>, vector<16xf32>,
          %get3A_524 = vector.shape_cast %get3A_523 : vector<16xf32> to vector<16xf32>
          %min3A_525 = arith.minimumf %max3A_512, %get3A_524 : vector<16xf32>
          %max3A_526 = arith.maximumf %max3A_512, %get3A_524 : vector<16xf32>
          %min3A_527 = arith.minimumf %max3A_514, %min3A_525 : vector<16xf32>
          %max3A_528 = arith.maximumf %max3A_514, %min3A_525 : vector<16xf32>
          %min3A_529 = arith.minimumf %max3A_516, %min3A_527 : vector<16xf32>
          %max3A_530 = arith.maximumf %max3A_516, %min3A_527 : vector<16xf32>
          %min3A_531 = arith.minimumf %max3A_518, %min3A_529 : vector<16xf32>
          %max3A_532 = arith.maximumf %max3A_518, %min3A_529 : vector<16xf32>
          %max3A_533 = arith.maximumf %max3A_519, %min3A_531 : vector<16xf32>
          %add3A_534 = arith.constant 32 : i32
          %add3A_535 = arith.addi %mul3A_239, %add3A_534 : i32
          %get3A_536 = arith.index_cast %add3A_535 : i32 to index
          %get3A_537 = tpu.vector_load %arg5[%get3A_536] {strides = array<i32>} : memref<100000xf32, #tpu.memory_space<vmem>>, vector<16xf32>,
          %get3A_538 = vector.shape_cast %get3A_537 : vector<16xf32> to vector<16xf32>
          %min3A_539 = arith.minimumf %max3A_526, %get3A_538 : vector<16xf32>
          %max3A_540 = arith.maximumf %max3A_526, %get3A_538 : vector<16xf32>
          %min3A_541 = arith.minimumf %max3A_528, %min3A_539 : vector<16xf32>
          %max3A_542 = arith.maximumf %max3A_528, %min3A_539 : vector<16xf32>
          %min3A_543 = arith.minimumf %max3A_530, %min3A_541 : vector<16xf32>
          %max3A_544 = arith.maximumf %max3A_530, %min3A_541 : vector<16xf32>
          %min3A_545 = arith.minimumf %max3A_532, %min3A_543 : vector<16xf32>
          %max3A_546 = arith.maximumf %max3A_532, %min3A_543 : vector<16xf32>
          %max3A_547 = arith.maximumf %max3A_533, %min3A_545 : vector<16xf32>
          %add3A_548 = arith.constant 48 : i32
          %add3A_549 = arith.addi %mul3A_239, %add3A_548 : i32
          %get3A_550 = arith.index_cast %add3A_549 : i32 to index
          %get3A_551 = tpu.vector_load %arg5[%get3A_550] {strides = array<i32>} : memref<100000xf32, #tpu.memory_space<vmem>>, vector<16xf32>,
          %get3A_552 = vector.shape_cast %get3A_551 : vector<16xf32> to vector<16xf32>
          %min3A_553 = arith.minimumf %max3A_540, %get3A_552 : vector<16xf32>
          %max3A_554 = arith.maximumf %max3A_540, %get3A_552 : vector<16xf32>
          %min3A_555 = arith.minimumf %max3A_542, %min3A_553 : vector<16xf32>
          %max3A_556 = arith.maximumf %max3A_542, %min3A_553 : vector<16xf32>
          %min3A_557 = arith.minimumf %max3A_544, %min3A_555 : vector<16xf32>
          %max3A_558 = arith.maximumf %max3A_544, %min3A_555 : vector<16xf32>
          %min3A_559 = arith.minimumf %max3A_546, %min3A_557 : vector<16xf32>
          %max3A_560 = arith.maximumf %max3A_546, %min3A_557 : vector<16xf32>
          %max3A_561 = arith.maximumf %max3A_547, %min3A_559 : vector<16xf32>
          %add3A_562 = arith.constant 64 : i32
          %add3A_563 = arith.addi %mul3A_239, %add3A_562 : i32
          %get3A_564 = arith.index_cast %add3A_563 : i32 to index
          %get3A_565 = tpu.vector_load %arg5[%get3A_564] {strides = array<i32>} : memref<100000xf32, #tpu.memory_space<vmem>>, vector<16xf32>,
          %get3A_566 = vector.shape_cast %get3A_565 : vector<16xf32> to vector<16xf32>
          %min3A_567 = arith.minimumf %max3A_554, %get3A_566 : vector<16xf32>
          %max3A_568 = arith.maximumf %max3A_554, %get3A_566 : vector<16xf32>
          %min3A_569 = arith.minimumf %max3A_556, %min3A_567 : vector<16xf32>
          %max3A_570 = arith.maximumf %max3A_556, %min3A_567 : vector<16xf32>
          %min3A_571 = arith.minimumf %max3A_558, %min3A_569 : vector<16xf32>
          %max3A_572 = arith.maximumf %max3A_558, %min3A_569 : vector<16xf32>
          %min3A_573 = arith.minimumf %max3A_560, %min3A_571 : vector<16xf32>
          %max3A_574 = arith.maximumf %max3A_560, %min3A_571 : vector<16xf32>
          %max3A_575 = arith.maximumf %max3A_561, %min3A_573 : vector<16xf32>
          %add3A_576 = arith.constant 80 : i32
          %add3A_577 = arith.addi %mul3A_239, %add3A_576 : i32
          %get3A_578 = arith.index_cast %add3A_577 : i32 to index
          %get3A_579 = tpu.vector_load %arg5[%get3A_578] {strides = array<i32>} : memref<100000xf32, #tpu.memory_space<vmem>>, vector<16xf32>,
          %get3A_580 = vector.shape_cast %get3A_579 : vector<16xf32> to vector<16xf32>
          %min3A_581 = arith.minimumf %max3A_568, %get3A_580 : vector<16xf32>
          %max3A_582 = arith.maximumf %max3A_568, %get3A_580 : vector<16xf32>
          %min3A_583 = arith.minimumf %max3A_570, %min3A_581 : vector<16xf32>
          %max3A_584 = arith.maximumf %max3A_570, %min3A_581 : vector<16xf32>
          %min3A_585 = arith.minimumf %max3A_572, %min3A_583 : vector<16xf32>
          %max3A_586 = arith.maximumf %max3A_572, %min3A_583 : vector<16xf32>
          %min3A_587 = arith.minimumf %max3A_574, %min3A_585 : vector<16xf32>
          %max3A_588 = arith.maximumf %max3A_574, %min3A_585 : vector<16xf32>
          %max3A_589 = arith.maximumf %max3A_575, %min3A_587 : vector<16xf32>
          %add3A_590 = arith.constant 96 : i32
          %add3A_591 = arith.addi %mul3A_239, %add3A_590 : i32
          %get3A_592 = arith.index_cast %add3A_591 : i32 to index
          %get3A_593 = tpu.vector_load %arg5[%get3A_592] {strides = array<i32>} : memref<100000xf32, #tpu.memory_space<vmem>>, vector<16xf32>,
          %get3A_594 = vector.shape_cast %get3A_593 : vector<16xf32> to vector<16xf32>
          %min3A_595 = arith.minimumf %max3A_582, %get3A_594 : vector<16xf32>
          %max3A_596 = arith.maximumf %max3A_582, %get3A_594 : vector<16xf32>
          %min3A_597 = arith.minimumf %max3A_584, %min3A_595 : vector<16xf32>
          %max3A_598 = arith.maximumf %max3A_584, %min3A_595 : vector<16xf32>
          %min3A_599 = arith.minimumf %max3A_586, %min3A_597 : vector<16xf32>
          %max3A_600 = arith.maximumf %max3A_586, %min3A_597 : vector<16xf32>
          %min3A_601 = arith.minimumf %max3A_588, %min3A_599 : vector<16xf32>
          %max3A_602 = arith.maximumf %max3A_588, %min3A_599 : vector<16xf32>
          %max3A_603 = arith.maximumf %max3A_589, %min3A_601 : vector<16xf32>
          %add3A_604 = arith.constant 112 : i32
          %add3A_605 = arith.addi %mul3A_239, %add3A_604 : i32
          %get3A_606 = arith.index_cast %add3A_605 : i32 to index
          %get3A_607 = tpu.vector_load %arg5[%get3A_606] {strides = array<i32>} : memref<100000xf32, #tpu.memory_space<vmem>>, vector<16xf32>,
          %get3A_608 = vector.shape_cast %get3A_607 : vector<16xf32> to vector<16xf32>
          %min3A_609 = arith.minimumf %max3A_596, %get3A_608 : vector<16xf32>
          %max3A_610 = arith.maximumf %max3A_596, %get3A_608 : vector<16xf32>
          %min3A_611 = arith.minimumf %max3A_598, %min3A_609 : vector<16xf32>
          %max3A_612 = arith.maximumf %max3A_598, %min3A_609 : vector<16xf32>
          %min3A_613 = arith.minimumf %max3A_600, %min3A_611 : vector<16xf32>
          %max3A_614 = arith.maximumf %max3A_600, %min3A_611 : vector<16xf32>
          %min3A_615 = arith.minimumf %max3A_602, %min3A_613 : vector<16xf32>
          %max3A_616 = arith.maximumf %max3A_602, %min3A_613 : vector<16xf32>
          %max3A_617 = arith.maximumf %max3A_603, %min3A_615 : vector<16xf32>
          %add3A_618 = arith.constant 128 : i32
          %add3A_619 = arith.addi %mul3A_239, %add3A_618 : i32
          %get3A_620 = arith.index_cast %add3A_619 : i32 to index
          %get3A_621 = tpu.vector_load %arg5[%get3A_620] {strides = array<i32>} : memref<100000xf32, #tpu.memory_space<vmem>>, vector<16xf32>,
          %get3A_622 = vector.shape_cast %get3A_621 : vector<16xf32> to vector<16xf32>
          %min3A_623 = arith.minimumf %max3A_610, %get3A_622 : vector<16xf32>
          %max3A_624 = arith.maximumf %max3A_610, %get3A_622 : vector<16xf32>
          %min3A_625 = arith.minimumf %max3A_612, %min3A_623 : vector<16xf32>
          %max3A_626 = arith.maximumf %max3A_612, %min3A_623 : vector<16xf32>
          %min3A_627 = arith.minimumf %max3A_614, %min3A_625 : vector<16xf32>
          %max3A_628 = arith.maximumf %max3A_614, %min3A_625 : vector<16xf32>
          %min3A_629 = arith.minimumf %max3A_616, %min3A_627 : vector<16xf32>
          %max3A_630 = arith.maximumf %max3A_616, %min3A_627 : vector<16xf32>
          %max3A_631 = arith.maximumf %max3A_617, %min3A_629 : vector<16xf32>
          %add3A_632 = arith.constant 144 : i32
          %add3A_633 = arith.addi %mul3A_239, %add3A_632 : i32
          %get3A_634 = arith.index_cast %add3A_633 : i32 to index
          %get3A_635 = tpu.vector_load %arg5[%get3A_634] {strides = array<i32>} : memref<100000xf32, #tpu.memory_space<vmem>>, vector<16xf32>,
          %get3A_636 = vector.shape_cast %get3A_635 : vector<16xf32> to vector<16xf32>
          %min3A_637 = arith.minimumf %max3A_624, %get3A_636 : vector<16xf32>
          %max3A_638 = arith.maximumf %max3A_624, %get3A_636 : vector<16xf32>
          %min3A_639 = arith.minimumf %max3A_626, %min3A_637 : vector<16xf32>
          %max3A_640 = arith.maximumf %max3A_626, %min3A_637 : vector<16xf32>
          %min3A_641 = arith.minimumf %max3A_628, %min3A_639 : vector<16xf32>
          %max3A_642 = arith.maximumf %max3A_628, %min3A_639 : vector<16xf32>
          %min3A_643 = arith.minimumf %max3A_630, %min3A_641 : vector<16xf32>
          %max3A_644 = arith.maximumf %max3A_630, %min3A_641 : vector<16xf32>
          %max3A_645 = arith.maximumf %max3A_631, %min3A_643 : vector<16xf32>
          %add3A_646 = arith.constant 160 : i32
          %add3A_647 = arith.addi %mul3A_239, %add3A_646 : i32
          %get3A_648 = arith.index_cast %add3A_647 : i32 to index
          %get3A_649 = tpu.vector_load %arg5[%get3A_648] {strides = array<i32>} : memref<100000xf32, #tpu.memory_space<vmem>>, vector<16xf32>,
          %get3A_650 = vector.shape_cast %get3A_649 : vector<16xf32> to vector<16xf32>
          %min3A_651 = arith.minimumf %max3A_638, %get3A_650 : vector<16xf32>
          %max3A_652 = arith.maximumf %max3A_638, %get3A_650 : vector<16xf32>
          %min3A_653 = arith.minimumf %max3A_640, %min3A_651 : vector<16xf32>
          %max3A_654 = arith.maximumf %max3A_640, %min3A_651 : vector<16xf32>
          %min3A_655 = arith.minimumf %max3A_642, %min3A_653 : vector<16xf32>
          %max3A_656 = arith.maximumf %max3A_642, %min3A_653 : vector<16xf32>
          %min3A_657 = arith.minimumf %max3A_644, %min3A_655 : vector<16xf32>
          %max3A_658 = arith.maximumf %max3A_644, %min3A_655 : vector<16xf32>
          %max3A_659 = arith.maximumf %max3A_645, %min3A_657 : vector<16xf32>
          %add3A_660 = arith.constant 176 : i32
          %add3A_661 = arith.addi %mul3A_239, %add3A_660 : i32
          %get3A_662 = arith.index_cast %add3A_661 : i32 to index
          %get3A_663 = tpu.vector_load %arg5[%get3A_662] {strides = array<i32>} : memref<100000xf32, #tpu.memory_space<vmem>>, vector<16xf32>,
          %get3A_664 = vector.shape_cast %get3A_663 : vector<16xf32> to vector<16xf32>
          %min3A_665 = arith.minimumf %max3A_652, %get3A_664 : vector<16xf32>
          %max3A_666 = arith.maximumf %max3A_652, %get3A_664 : vector<16xf32>
          %min3A_667 = arith.minimumf %max3A_654, %min3A_665 : vector<16xf32>
          %max3A_668 = arith.maximumf %max3A_654, %min3A_665 : vector<16xf32>
          %min3A_669 = arith.minimumf %max3A_656, %min3A_667 : vector<16xf32>
          %max3A_670 = arith.maximumf %max3A_656, %min3A_667 : vector<16xf32>
          %min3A_671 = arith.minimumf %max3A_658, %min3A_669 : vector<16xf32>
          %max3A_672 = arith.maximumf %max3A_658, %min3A_669 : vector<16xf32>
          %max3A_673 = arith.maximumf %max3A_659, %min3A_671 : vector<16xf32>
          %add3A_674 = arith.constant 192 : i32
          %add3A_675 = arith.addi %mul3A_239, %add3A_674 : i32
          %get3A_676 = arith.index_cast %add3A_675 : i32 to index
          %get3A_677 = tpu.vector_load %arg5[%get3A_676] {strides = array<i32>} : memref<100000xf32, #tpu.memory_space<vmem>>, vector<16xf32>,
          %get3A_678 = vector.shape_cast %get3A_677 : vector<16xf32> to vector<16xf32>
          %min3A_679 = arith.minimumf %max3A_666, %get3A_678 : vector<16xf32>
          %max3A_680 = arith.maximumf %max3A_666, %get3A_678 : vector<16xf32>
          %min3A_681 = arith.minimumf %max3A_668, %min3A_679 : vector<16xf32>
          %max3A_682 = arith.maximumf %max3A_668, %min3A_679 : vector<16xf32>
          %min3A_683 = arith.minimumf %max3A_670, %min3A_681 : vector<16xf32>
          %max3A_684 = arith.maximumf %max3A_670, %min3A_681 : vector<16xf32>
          %min3A_685 = arith.minimumf %max3A_672, %min3A_683 : vector<16xf32>
          %max3A_686 = arith.maximumf %max3A_672, %min3A_683 : vector<16xf32>
          %max3A_687 = arith.maximumf %max3A_673, %min3A_685 : vector<16xf32>
          %add3A_688 = arith.constant 208 : i32
          %add3A_689 = arith.addi %mul3A_239, %add3A_688 : i32
          %get3A_690 = arith.index_cast %add3A_689 : i32 to index
          %get3A_691 = tpu.vector_load %arg5[%get3A_690] {strides = array<i32>} : memref<100000xf32, #tpu.memory_space<vmem>>, vector<16xf32>,
          %get3A_692 = vector.shape_cast %get3A_691 : vector<16xf32> to vector<16xf32>
          %min3A_693 = arith.minimumf %max3A_680, %get3A_692 : vector<16xf32>
          %max3A_694 = arith.maximumf %max3A_680, %get3A_692 : vector<16xf32>
          %min3A_695 = arith.minimumf %max3A_682, %min3A_693 : vector<16xf32>
          %max3A_696 = arith.maximumf %max3A_682, %min3A_693 : vector<16xf32>
          %min3A_697 = arith.minimumf %max3A_684, %min3A_695 : vector<16xf32>
          %max3A_698 = arith.maximumf %max3A_684, %min3A_695 : vector<16xf32>
          %min3A_699 = arith.minimumf %max3A_686, %min3A_697 : vector<16xf32>
          %max3A_700 = arith.maximumf %max3A_686, %min3A_697 : vector<16xf32>
          %max3A_701 = arith.maximumf %max3A_687, %min3A_699 : vector<16xf32>
          %add3A_702 = arith.constant 224 : i32
          %add3A_703 = arith.addi %mul3A_239, %add3A_702 : i32
          %get3A_704 = arith.index_cast %add3A_703 : i32 to index
          %get3A_705 = tpu.vector_load %arg5[%get3A_704] {strides = array<i32>} : memref<100000xf32, #tpu.memory_space<vmem>>, vector<16xf32>,
          %get3A_706 = vector.shape_cast %get3A_705 : vector<16xf32> to vector<16xf32>
          %min3A_707 = arith.minimumf %max3A_694, %get3A_706 : vector<16xf32>
          %max3A_708 = arith.maximumf %max3A_694, %get3A_706 : vector<16xf32>
          %min3A_709 = arith.minimumf %max3A_696, %min3A_707 : vector<16xf32>
          %max3A_710 = arith.maximumf %max3A_696, %min3A_707 : vector<16xf32>
          %min3A_711 = arith.minimumf %max3A_698, %min3A_709 : vector<16xf32>
          %max3A_712 = arith.maximumf %max3A_698, %min3A_709 : vector<16xf32>
          %min3A_713 = arith.minimumf %max3A_700, %min3A_711 : vector<16xf32>
          %max3A_714 = arith.maximumf %max3A_700, %min3A_711 : vector<16xf32>
          %max3A_715 = arith.maximumf %max3A_701, %min3A_713 : vector<16xf32>
          %add3A_716 = arith.constant 240 : i32
          %add3A_717 = arith.addi %mul3A_239, %add3A_716 : i32
          %get3A_718 = arith.index_cast %add3A_717 : i32 to index
          %get3A_719 = tpu.vector_load %arg5[%get3A_718] {strides = array<i32>} : memref<100000xf32, #tpu.memory_space<vmem>>, vector<16xf32>,
          %get3A_720 = vector.shape_cast %get3A_719 : vector<16xf32> to vector<16xf32>
          %min3A_721 = arith.minimumf %max3A_708, %get3A_720 : vector<16xf32>
          %max3A_722 = arith.maximumf %max3A_708, %get3A_720 : vector<16xf32>
          %min3A_723 = arith.minimumf %max3A_710, %min3A_721 : vector<16xf32>
          %max3A_724 = arith.maximumf %max3A_710, %min3A_721 : vector<16xf32>
          %min3A_725 = arith.minimumf %max3A_712, %min3A_723 : vector<16xf32>
          %max3A_726 = arith.maximumf %max3A_712, %min3A_723 : vector<16xf32>
          %min3A_727 = arith.minimumf %max3A_714, %min3A_725 : vector<16xf32>
          %max3A_728 = arith.maximumf %max3A_714, %min3A_725 : vector<16xf32>
          %max3A_729 = arith.maximumf %max3A_715, %min3A_727 : vector<16xf32>
          %add3A_730 = arith.constant 256 : i32
          %add3A_731 = arith.addi %mul3A_239, %add3A_730 : i32
          %get3A_732 = arith.index_cast %add3A_731 : i32 to index
          %get3A_733 = tpu.vector_load %arg5[%get3A_732] {strides = array<i32>} : memref<100000xf32, #tpu.memory_space<vmem>>, vector<16xf32>,
          %get3A_734 = vector.shape_cast %get3A_733 : vector<16xf32> to vector<16xf32>
          %min3A_735 = arith.minimumf %max3A_722, %get3A_734 : vector<16xf32>
          %max3A_736 = arith.maximumf %max3A_722, %get3A_734 : vector<16xf32>
          %min3A_737 = arith.minimumf %max3A_724, %min3A_735 : vector<16xf32>
          %max3A_738 = arith.maximumf %max3A_724, %min3A_735 : vector<16xf32>
          %min3A_739 = arith.minimumf %max3A_726, %min3A_737 : vector<16xf32>
          %max3A_740 = arith.maximumf %max3A_726, %min3A_737 : vector<16xf32>
          %min3A_741 = arith.minimumf %max3A_728, %min3A_739 : vector<16xf32>
          %max3A_742 = arith.maximumf %max3A_728, %min3A_739 : vector<16xf32>
          %max3A_743 = arith.maximumf %max3A_729, %min3A_741 : vector<16xf32>
          %add3A_744 = arith.constant 272 : i32
          %add3A_745 = arith.addi %mul3A_239, %add3A_744 : i32
          %get3A_746 = arith.index_cast %add3A_745 : i32 to index
          %get3A_747 = tpu.vector_load %arg5[%get3A_746] {strides = array<i32>} : memref<100000xf32, #tpu.memory_space<vmem>>, vector<16xf32>,
          %get3A_748 = vector.shape_cast %get3A_747 : vector<16xf32> to vector<16xf32>
          %min3A_749 = arith.minimumf %max3A_736, %get3A_748 : vector<16xf32>
          %max3A_750 = arith.maximumf %max3A_736, %get3A_748 : vector<16xf32>
          %min3A_751 = arith.minimumf %max3A_738, %min3A_749 : vector<16xf32>
          %max3A_752 = arith.maximumf %max3A_738, %min3A_749 : vector<16xf32>
          %min3A_753 = arith.minimumf %max3A_740, %min3A_751 : vector<16xf32>
          %max3A_754 = arith.maximumf %max3A_740, %min3A_751 : vector<16xf32>
          %min3A_755 = arith.minimumf %max3A_742, %min3A_753 : vector<16xf32>
          %max3A_756 = arith.maximumf %max3A_742, %min3A_753 : vector<16xf32>
          %max3A_757 = arith.maximumf %max3A_743, %min3A_755 : vector<16xf32>
          %add3A_758 = arith.constant 288 : i32
          %add3A_759 = arith.addi %mul3A_239, %add3A_758 : i32
          %get3A_760 = arith.index_cast %add3A_759 : i32 to index
          %get3A_761 = tpu.vector_load %arg5[%get3A_760] {strides = array<i32>} : memref<100000xf32, #tpu.memory_space<vmem>>, vector<16xf32>,
          %get3A_762 = vector.shape_cast %get3A_761 : vector<16xf32> to vector<16xf32>
          %min3A_763 = arith.minimumf %max3A_750, %get3A_762 : vector<16xf32>
          %max3A_764 = arith.maximumf %max3A_750, %get3A_762 : vector<16xf32>
          %min3A_765 = arith.minimumf %max3A_752, %min3A_763 : vector<16xf32>
          %max3A_766 = arith.maximumf %max3A_752, %min3A_763 : vector<16xf32>
          %min3A_767 = arith.minimumf %max3A_754, %min3A_765 : vector<16xf32>
          %max3A_768 = arith.maximumf %max3A_754, %min3A_765 : vector<16xf32>
          %min3A_769 = arith.minimumf %max3A_756, %min3A_767 : vector<16xf32>
          %max3A_770 = arith.maximumf %max3A_756, %min3A_767 : vector<16xf32>
          %max3A_771 = arith.maximumf %max3A_757, %min3A_769 : vector<16xf32>
          %add3A_772 = arith.constant 304 : i32
          %add3A_773 = arith.addi %mul3A_239, %add3A_772 : i32
          %get3A_774 = arith.index_cast %add3A_773 : i32 to index
          %get3A_775 = tpu.vector_load %arg5[%get3A_774] {strides = array<i32>} : memref<100000xf32, #tpu.memory_space<vmem>>, vector<16xf32>,
          %get3A_776 = vector.shape_cast %get3A_775 : vector<16xf32> to vector<16xf32>
          %min3A_777 = arith.minimumf %max3A_764, %get3A_776 : vector<16xf32>
          %max3A_778 = arith.maximumf %max3A_764, %get3A_776 : vector<16xf32>
          %min3A_779 = arith.minimumf %max3A_766, %min3A_777 : vector<16xf32>
          %max3A_780 = arith.maximumf %max3A_766, %min3A_777 : vector<16xf32>
          %min3A_781 = arith.minimumf %max3A_768, %min3A_779 : vector<16xf32>
          %max3A_782 = arith.maximumf %max3A_768, %min3A_779 : vector<16xf32>
          %min3A_783 = arith.minimumf %max3A_770, %min3A_781 : vector<16xf32>
          %max3A_784 = arith.maximumf %max3A_770, %min3A_781 : vector<16xf32>
          %max3A_785 = arith.maximumf %max3A_771, %min3A_783 : vector<16xf32>
          %add3A_786 = arith.constant 320 : i32
          %add3A_787 = arith.addi %mul3A_239, %add3A_786 : i32
          %get3A_788 = arith.index_cast %add3A_787 : i32 to index
          %get3A_789 = tpu.vector_load %arg5[%get3A_788] {strides = array<i32>} : memref<100000xf32, #tpu.memory_space<vmem>>, vector<16xf32>,
          %get3A_790 = vector.shape_cast %get3A_789 : vector<16xf32> to vector<16xf32>
          %min3A_791 = arith.minimumf %max3A_778, %get3A_790 : vector<16xf32>
          %max3A_792 = arith.maximumf %max3A_778, %get3A_790 : vector<16xf32>
          %min3A_793 = arith.minimumf %max3A_780, %min3A_791 : vector<16xf32>
          %max3A_794 = arith.maximumf %max3A_780, %min3A_791 : vector<16xf32>
          %min3A_795 = arith.minimumf %max3A_782, %min3A_793 : vector<16xf32>
          %max3A_796 = arith.maximumf %max3A_782, %min3A_793 : vector<16xf32>
          %min3A_797 = arith.minimumf %max3A_784, %min3A_795 : vector<16xf32>
          %max3A_798 = arith.maximumf %max3A_784, %min3A_795 : vector<16xf32>
          %max3A_799 = arith.maximumf %max3A_785, %min3A_797 : vector<16xf32>
          %add3A_800 = arith.constant 336 : i32
          %add3A_801 = arith.addi %mul3A_239, %add3A_800 : i32
          %get3A_802 = arith.index_cast %add3A_801 : i32 to index
          %get3A_803 = tpu.vector_load %arg5[%get3A_802] {strides = array<i32>} : memref<100000xf32, #tpu.memory_space<vmem>>, vector<16xf32>,
          %get3A_804 = vector.shape_cast %get3A_803 : vector<16xf32> to vector<16xf32>
          %min3A_805 = arith.minimumf %max3A_792, %get3A_804 : vector<16xf32>
          %max3A_806 = arith.maximumf %max3A_792, %get3A_804 : vector<16xf32>
          %min3A_807 = arith.minimumf %max3A_794, %min3A_805 : vector<16xf32>
          %max3A_808 = arith.maximumf %max3A_794, %min3A_805 : vector<16xf32>
          %min3A_809 = arith.minimumf %max3A_796, %min3A_807 : vector<16xf32>
          %max3A_810 = arith.maximumf %max3A_796, %min3A_807 : vector<16xf32>
          %min3A_811 = arith.minimumf %max3A_798, %min3A_809 : vector<16xf32>
          %max3A_812 = arith.maximumf %max3A_798, %min3A_809 : vector<16xf32>
          %max3A_813 = arith.maximumf %max3A_799, %min3A_811 : vector<16xf32>
          %add3A_814 = arith.constant 352 : i32
          %add3A_815 = arith.addi %mul3A_239, %add3A_814 : i32
          %get3A_816 = arith.index_cast %add3A_815 : i32 to index
          %get3A_817 = tpu.vector_load %arg5[%get3A_816] {strides = array<i32>} : memref<100000xf32, #tpu.memory_space<vmem>>, vector<16xf32>,
          %get3A_818 = vector.shape_cast %get3A_817 : vector<16xf32> to vector<16xf32>
          %min3A_819 = arith.minimumf %max3A_806, %get3A_818 : vector<16xf32>
          %max3A_820 = arith.maximumf %max3A_806, %get3A_818 : vector<16xf32>
          %min3A_821 = arith.minimumf %max3A_808, %min3A_819 : vector<16xf32>
          %max3A_822 = arith.maximumf %max3A_808, %min3A_819 : vector<16xf32>
          %min3A_823 = arith.minimumf %max3A_810, %min3A_821 : vector<16xf32>
          %max3A_824 = arith.maximumf %max3A_810, %min3A_821 : vector<16xf32>
          %min3A_825 = arith.minimumf %max3A_812, %min3A_823 : vector<16xf32>
          %max3A_826 = arith.maximumf %max3A_812, %min3A_823 : vector<16xf32>
          %max3A_827 = arith.maximumf %max3A_813, %min3A_825 : vector<16xf32>
          %add3A_828 = arith.constant 368 : i32
          %add3A_829 = arith.addi %mul3A_239, %add3A_828 : i32
          %get3A_830 = arith.index_cast %add3A_829 : i32 to index
          %get3A_831 = tpu.vector_load %arg5[%get3A_830] {strides = array<i32>} : memref<100000xf32, #tpu.memory_space<vmem>>, vector<16xf32>,
          %get3A_832 = vector.shape_cast %get3A_831 : vector<16xf32> to vector<16xf32>
          %min3A_833 = arith.minimumf %max3A_820, %get3A_832 : vector<16xf32>
          %max3A_834 = arith.maximumf %max3A_820, %get3A_832 : vector<16xf32>
          %min3A_835 = arith.minimumf %max3A_822, %min3A_833 : vector<16xf32>
          %max3A_836 = arith.maximumf %max3A_822, %min3A_833 : vector<16xf32>
          %min3A_837 = arith.minimumf %max3A_824, %min3A_835 : vector<16xf32>
          %max3A_838 = arith.maximumf %max3A_824, %min3A_835 : vector<16xf32>
          %min3A_839 = arith.minimumf %max3A_826, %min3A_837 : vector<16xf32>
          %max3A_840 = arith.maximumf %max3A_826, %min3A_837 : vector<16xf32>
          %max3A_841 = arith.maximumf %max3A_827, %min3A_839 : vector<16xf32>
          %add3A_842 = arith.constant 384 : i32
          %add3A_843 = arith.addi %mul3A_239, %add3A_842 : i32
          %get3A_844 = arith.index_cast %add3A_843 : i32 to index
          %get3A_845 = tpu.vector_load %arg5[%get3A_844] {strides = array<i32>} : memref<100000xf32, #tpu.memory_space<vmem>>, vector<16xf32>,
          %get3A_846 = vector.shape_cast %get3A_845 : vector<16xf32> to vector<16xf32>
          %min3A_847 = arith.minimumf %max3A_834, %get3A_846 : vector<16xf32>
          %max3A_848 = arith.maximumf %max3A_834, %get3A_846 : vector<16xf32>
          %min3A_849 = arith.minimumf %max3A_836, %min3A_847 : vector<16xf32>
          %max3A_850 = arith.maximumf %max3A_836, %min3A_847 : vector<16xf32>
          %min3A_851 = arith.minimumf %max3A_838, %min3A_849 : vector<16xf32>
          %max3A_852 = arith.maximumf %max3A_838, %min3A_849 : vector<16xf32>
          %min3A_853 = arith.minimumf %max3A_840, %min3A_851 : vector<16xf32>
          %max3A_854 = arith.maximumf %max3A_840, %min3A_851 : vector<16xf32>
          %max3A_855 = arith.maximumf %max3A_841, %min3A_853 : vector<16xf32>
          %get3A_856 = arith.constant 0 : i32
          %get3A_857 = arith.index_cast %get3A_856 : i32 to index
          %get3A_858 = arith.constant 0 : index
          %get3A_859 = tpu.vector_load %arg7[%get3A_857, %get3A_858] {strides = array<i32>} : memref<5x16xf32, #tpu.memory_space<vmem>>, vector<1x16xf32>,
          %get3A_860 = vector.shape_cast %get3A_859 : vector<1x16xf32> to vector<16xf32>
          %get3A_861 = arith.constant 1 : i32
          %get3A_862 = arith.index_cast %get3A_861 : i32 to index
          %get3A_863 = arith.constant 0 : index
          %get3A_864 = tpu.vector_load %arg7[%get3A_862, %get3A_863] {strides = array<i32>} : memref<5x16xf32, #tpu.memory_space<vmem>>, vector<1x16xf32>,
          %get3A_865 = vector.shape_cast %get3A_864 : vector<1x16xf32> to vector<16xf32>
          %get3A_866 = arith.constant 2 : i32
          %get3A_867 = arith.index_cast %get3A_866 : i32 to index
          %get3A_868 = arith.constant 0 : index
          %get3A_869 = tpu.vector_load %arg7[%get3A_867, %get3A_868] {strides = array<i32>} : memref<5x16xf32, #tpu.memory_space<vmem>>, vector<1x16xf32>,
          %get3A_870 = vector.shape_cast %get3A_869 : vector<1x16xf32> to vector<16xf32>
          %get3A_871 = arith.constant 3 : i32
          %get3A_872 = arith.index_cast %get3A_871 : i32 to index
          %get3A_873 = arith.constant 0 : index
          %get3A_874 = tpu.vector_load %arg7[%get3A_872, %get3A_873] {strides = array<i32>} : memref<5x16xf32, #tpu.memory_space<vmem>>, vector<1x16xf32>,
          %get3A_875 = vector.shape_cast %get3A_874 : vector<1x16xf32> to vector<16xf32>
          %get3A_876 = arith.constant 4 : i32
          %get3A_877 = arith.index_cast %get3A_876 : i32 to index
          %get3A_878 = arith.constant 0 : index
          %get3A_879 = tpu.vector_load %arg7[%get3A_877, %get3A_878] {strides = array<i32>} : memref<5x16xf32, #tpu.memory_space<vmem>>, vector<1x16xf32>,
          %get3A_880 = vector.shape_cast %get3A_879 : vector<1x16xf32> to vector<16xf32>
          %xor3A_881 = arith.constant 1 : i32
          %xor3A_882 = vector.broadcast %xor3A_881 : i32 to vector<16xi32>
          %xor3A_883 = arith.xori %iota3A, %xor3A_882 : vector<16xi32>
          %lt3A_884 = arith.constant 0 : i32
          %lt3A_885 = vector.broadcast %lt3A_884 : i32 to vector<16xi32>
          %lt3A_886 = arith.cmpi slt, %xor3A_883, %lt3A_885 : vector<16xi32>
          %add3A_887 = arith.constant 16 : i32
          %add3A_888 = vector.broadcast %add3A_887 : i32 to vector<16xi32>
          %add3A_889 = arith.addi %xor3A_883, %add3A_888 : vector<16xi32>
          %select_n3A_890 = arith.select %lt3A_886, %add3A_889, %xor3A_883 : vector<16xi1>, vector<16xi32>
          %broadcast_in_dim3A_891 = vector.shape_cast %select_n3A_890 : vector<16xi32> to vector<16x1xi32>
          %gather3A_892 = vector.shape_cast %broadcast_in_dim3A_891 : vector<16x1xi32> to vector<16xi32>
          %gather3A_893 = tpu.dynamic_gather %max3A_848[%gather3A_892] in [0] : vector<16xf32>, vector<16xi32> -> vector<16xf32>
          %max3A_894 = arith.maximumf %max3A_848, %gather3A_893 : vector<16xf32>
          %xor3A_895 = arith.constant 2 : i32
          %xor3A_896 = vector.broadcast %xor3A_895 : i32 to vector<16xi32>
          %xor3A_897 = arith.xori %iota3A, %xor3A_896 : vector<16xi32>
          %lt3A_898 = arith.constant 0 : i32
          %lt3A_899 = vector.broadcast %lt3A_898 : i32 to vector<16xi32>
          %lt3A_900 = arith.cmpi slt, %xor3A_897, %lt3A_899 : vector<16xi32>
          %add3A_901 = arith.constant 16 : i32
          %add3A_902 = vector.broadcast %add3A_901 : i32 to vector<16xi32>
          %add3A_903 = arith.addi %xor3A_897, %add3A_902 : vector<16xi32>
          %select_n3A_904 = arith.select %lt3A_900, %add3A_903, %xor3A_897 : vector<16xi1>, vector<16xi32>
          %broadcast_in_dim3A_905 = vector.shape_cast %select_n3A_904 : vector<16xi32> to vector<16x1xi32>
          %gather3A_906 = vector.shape_cast %broadcast_in_dim3A_905 : vector<16x1xi32> to vector<16xi32>
          %gather3A_907 = tpu.dynamic_gather %max3A_894[%gather3A_906] in [0] : vector<16xf32>, vector<16xi32> -> vector<16xf32>
          %max3A_908 = arith.maximumf %max3A_894, %gather3A_907 : vector<16xf32>
          %xor3A_909 = arith.constant 4 : i32
          %xor3A_910 = vector.broadcast %xor3A_909 : i32 to vector<16xi32>
          %xor3A_911 = arith.xori %iota3A, %xor3A_910 : vector<16xi32>
          %lt3A_912 = arith.constant 0 : i32
          %lt3A_913 = vector.broadcast %lt3A_912 : i32 to vector<16xi32>
          %lt3A_914 = arith.cmpi slt, %xor3A_911, %lt3A_913 : vector<16xi32>
          %add3A_915 = arith.constant 16 : i32
          %add3A_916 = vector.broadcast %add3A_915 : i32 to vector<16xi32>
          %add3A_917 = arith.addi %xor3A_911, %add3A_916 : vector<16xi32>
          %select_n3A_918 = arith.select %lt3A_914, %add3A_917, %xor3A_911 : vector<16xi1>, vector<16xi32>
          %broadcast_in_dim3A_919 = vector.shape_cast %select_n3A_918 : vector<16xi32> to vector<16x1xi32>
          %gather3A_920 = vector.shape_cast %broadcast_in_dim3A_919 : vector<16x1xi32> to vector<16xi32>
          %gather3A_921 = tpu.dynamic_gather %max3A_908[%gather3A_920] in [0] : vector<16xf32>, vector<16xi32> -> vector<16xf32>
          %max3A_922 = arith.maximumf %max3A_908, %gather3A_921 : vector<16xf32>
          %xor3A_923 = arith.constant 8 : i32
          %xor3A_924 = vector.broadcast %xor3A_923 : i32 to vector<16xi32>
          %xor3A_925 = arith.xori %iota3A, %xor3A_924 : vector<16xi32>
          %lt3A_926 = arith.constant 0 : i32
          %lt3A_927 = vector.broadcast %lt3A_926 : i32 to vector<16xi32>
          %lt3A_928 = arith.cmpi slt, %xor3A_925, %lt3A_927 : vector<16xi32>
          %add3A_929 = arith.constant 16 : i32
          %add3A_930 = vector.broadcast %add3A_929 : i32 to vector<16xi32>
          %add3A_931 = arith.addi %xor3A_925, %add3A_930 : vector<16xi32>
          %select_n3A_932 = arith.select %lt3A_928, %add3A_931, %xor3A_925 : vector<16xi1>, vector<16xi32>
          %broadcast_in_dim3A_933 = vector.shape_cast %select_n3A_932 : vector<16xi32> to vector<16x1xi32>
          %gather3A_934 = vector.shape_cast %broadcast_in_dim3A_933 : vector<16x1xi32> to vector<16xi32>
          %gather3A_935 = tpu.dynamic_gather %max3A_922[%gather3A_934] in [0] : vector<16xf32>, vector<16xi32> -> vector<16xf32>
          %max3A_936 = arith.maximumf %max3A_922, %gather3A_935 : vector<16xf32>
          %eq3A_937 = arith.cmpf oeq, %max3A_848, %max3A_936 : vector<16xf32>
          %jit3A_938 = arith.constant 16 : i32
          %broadcast_in_dim3A_939 = vector.broadcast %jit3A_938 : i32 to vector<16xi32>
          %select_n3A_940 = arith.select %eq3A_937, %iota3A, %broadcast_in_dim3A_939 : vector<16xi1>, vector<16xi32>
          %xor3A_941 = arith.constant 1 : i32
          %xor3A_942 = vector.broadcast %xor3A_941 : i32 to vector<16xi32>
          %xor3A_943 = arith.xori %iota3A, %xor3A_942 : vector<16xi32>
          %lt3A_944 = arith.constant 0 : i32
          %lt3A_945 = vector.broadcast %lt3A_944 : i32 to vector<16xi32>
          %lt3A_946 = arith.cmpi slt, %xor3A_943, %lt3A_945 : vector<16xi32>
          %add3A_947 = arith.constant 16 : i32
          %add3A_948 = vector.broadcast %add3A_947 : i32 to vector<16xi32>
          %add3A_949 = arith.addi %xor3A_943, %add3A_948 : vector<16xi32>
          %select_n3A_950 = arith.select %lt3A_946, %add3A_949, %xor3A_943 : vector<16xi1>, vector<16xi32>
          %broadcast_in_dim3A_951 = vector.shape_cast %select_n3A_950 : vector<16xi32> to vector<16x1xi32>
          %gather3A_952 = vector.shape_cast %broadcast_in_dim3A_951 : vector<16x1xi32> to vector<16xi32>
          %gather3A_953 = tpu.dynamic_gather %select_n3A_940[%gather3A_952] in [0] : vector<16xi32>, vector<16xi32> -> vector<16xi32>
          %min3A_954 = arith.minsi %select_n3A_940, %gather3A_953 : vector<16xi32>
          %xor3A_955 = arith.constant 2 : i32
          %xor3A_956 = vector.broadcast %xor3A_955 : i32 to vector<16xi32>
          %xor3A_957 = arith.xori %iota3A, %xor3A_956 : vector<16xi32>
          %lt3A_958 = arith.constant 0 : i32
          %lt3A_959 = vector.broadcast %lt3A_958 : i32 to vector<16xi32>
          %lt3A_960 = arith.cmpi slt, %xor3A_957, %lt3A_959 : vector<16xi32>
          %add3A_961 = arith.constant 16 : i32
          %add3A_962 = vector.broadcast %add3A_961 : i32 to vector<16xi32>
          %add3A_963 = arith.addi %xor3A_957, %add3A_962 : vector<16xi32>
          %select_n3A_964 = arith.select %lt3A_960, %add3A_963, %xor3A_957 : vector<16xi1>, vector<16xi32>
          %broadcast_in_dim3A_965 = vector.shape_cast %select_n3A_964 : vector<16xi32> to vector<16x1xi32>
          %gather3A_966 = vector.shape_cast %broadcast_in_dim3A_965 : vector<16x1xi32> to vector<16xi32>
          %gather3A_967 = tpu.dynamic_gather %min3A_954[%gather3A_966] in [0] : vector<16xi32>, vector<16xi32> -> vector<16xi32>
          %min3A_968 = arith.minsi %min3A_954, %gather3A_967 : vector<16xi32>
          %xor3A_969 = arith.constant 4 : i32
          %xor3A_970 = vector.broadcast %xor3A_969 : i32 to vector<16xi32>
          %xor3A_971 = arith.xori %iota3A, %xor3A_970 : vector<16xi32>
          %lt3A_972 = arith.constant 0 : i32
          %lt3A_973 = vector.broadcast %lt3A_972 : i32 to vector<16xi32>
          %lt3A_974 = arith.cmpi slt, %xor3A_971, %lt3A_973 : vector<16xi32>
          %add3A_975 = arith.constant 16 : i32
          %add3A_976 = vector.broadcast %add3A_975 : i32 to vector<16xi32>
          %add3A_977 = arith.addi %xor3A_971, %add3A_976 : vector<16xi32>
          %select_n3A_978 = arith.select %lt3A_974, %add3A_977, %xor3A_971 : vector<16xi1>, vector<16xi32>
          %broadcast_in_dim3A_979 = vector.shape_cast %select_n3A_978 : vector<16xi32> to vector<16x1xi32>
          %gather3A_980 = vector.shape_cast %broadcast_in_dim3A_979 : vector<16x1xi32> to vector<16xi32>
          %gather3A_981 = tpu.dynamic_gather %min3A_968[%gather3A_980] in [0] : vector<16xi32>, vector<16xi32> -> vector<16xi32>
          %min3A_982 = arith.minsi %min3A_968, %gather3A_981 : vector<16xi32>
          %xor3A_983 = arith.constant 8 : i32
          %xor3A_984 = vector.broadcast %xor3A_983 : i32 to vector<16xi32>
          %xor3A_985 = arith.xori %iota3A, %xor3A_984 : vector<16xi32>
          %lt3A_986 = arith.constant 0 : i32
          %lt3A_987 = vector.broadcast %lt3A_986 : i32 to vector<16xi32>
          %lt3A_988 = arith.cmpi slt, %xor3A_985, %lt3A_987 : vector<16xi32>
          %add3A_989 = arith.constant 16 : i32
          %add3A_990 = vector.broadcast %add3A_989 : i32 to vector<16xi32>
          %add3A_991 = arith.addi %xor3A_985, %add3A_990 : vector<16xi32>
          %select_n3A_992 = arith.select %lt3A_988, %add3A_991, %xor3A_985 : vector<16xi1>, vector<16xi32>
          %broadcast_in_dim3A_993 = vector.shape_cast %select_n3A_992 : vector<16xi32> to vector<16x1xi32>
          %gather3A_994 = vector.shape_cast %broadcast_in_dim3A_993 : vector<16x1xi32> to vector<16xi32>
          %gather3A_995 = tpu.dynamic_gather %min3A_982[%gather3A_994] in [0] : vector<16xi32>, vector<16xi32> -> vector<16xi32>
          %min3A_996 = arith.minsi %min3A_982, %gather3A_995 : vector<16xi32>
          %eq3A_997 = arith.cmpi eq, %iota3A, %min3A_996 : vector<16xi32>
          %select_n3A_998 = arith.select %eq3A_997, %max3A_850, %max3A_848 : vector<16xi1>, vector<16xf32>
          %select_n3A_999 = arith.select %eq3A_997, %max3A_852, %max3A_850 : vector<16xi1>, vector<16xf32>
          %select_n3A_1000 = arith.select %eq3A_997, %max3A_854, %max3A_852 : vector<16xi1>, vector<16xf32>
          %select_n3A_1001 = arith.select %eq3A_997, %max3A_855, %max3A_854 : vector<16xi1>, vector<16xf32>
          %jit3A_1002 = arith.constant -3.000000e+38 : f32
          %broadcast_in_dim3A_1003 = vector.broadcast %jit3A_1002 : f32 to vector<16xf32>
          %select_n3A_1004 = arith.select %eq3A_997, %broadcast_in_dim3A_1003, %max3A_855 : vector<16xi1>, vector<16xf32>
          %max3A_1005 = arith.maximumf %get3A_860, %max3A_936 : vector<16xf32>
          %min3A_1006 = arith.minimumf %get3A_860, %max3A_936 : vector<16xf32>
          %max3A_1007 = arith.maximumf %get3A_865, %min3A_1006 : vector<16xf32>
          %min3A_1008 = arith.minimumf %get3A_865, %min3A_1006 : vector<16xf32>
          %max3A_1009 = arith.maximumf %get3A_870, %min3A_1008 : vector<16xf32>
          %min3A_1010 = arith.minimumf %get3A_870, %min3A_1008 : vector<16xf32>
          %max3A_1011 = arith.maximumf %get3A_875, %min3A_1010 : vector<16xf32>
          %min3A_1012 = arith.minimumf %get3A_875, %min3A_1010 : vector<16xf32>
          %max3A_1013 = arith.maximumf %get3A_880, %min3A_1012 : vector<16xf32>
          %min3A_1014 = arith.minimumf %get3A_880, %min3A_1012 : vector<16xf32>
          %xor3A_1015 = arith.constant 1 : i32
          %xor3A_1016 = vector.broadcast %xor3A_1015 : i32 to vector<16xi32>
          %xor3A_1017 = arith.xori %iota3A, %xor3A_1016 : vector<16xi32>
          %lt3A_1018 = arith.constant 0 : i32
          %lt3A_1019 = vector.broadcast %lt3A_1018 : i32 to vector<16xi32>
          %lt3A_1020 = arith.cmpi slt, %xor3A_1017, %lt3A_1019 : vector<16xi32>
          %add3A_1021 = arith.constant 16 : i32
          %add3A_1022 = vector.broadcast %add3A_1021 : i32 to vector<16xi32>
          %add3A_1023 = arith.addi %xor3A_1017, %add3A_1022 : vector<16xi32>
          %select_n3A_1024 = arith.select %lt3A_1020, %add3A_1023, %xor3A_1017 : vector<16xi1>, vector<16xi32>
          %broadcast_in_dim3A_1025 = vector.shape_cast %select_n3A_1024 : vector<16xi32> to vector<16x1xi32>
          %gather3A_1026 = vector.shape_cast %broadcast_in_dim3A_1025 : vector<16x1xi32> to vector<16xi32>
          %gather3A_1027 = tpu.dynamic_gather %select_n3A_998[%gather3A_1026] in [0] : vector<16xf32>, vector<16xi32> -> vector<16xf32>
          %max3A_1028 = arith.maximumf %select_n3A_998, %gather3A_1027 : vector<16xf32>
          %xor3A_1029 = arith.constant 2 : i32
          %xor3A_1030 = vector.broadcast %xor3A_1029 : i32 to vector<16xi32>
          %xor3A_1031 = arith.xori %iota3A, %xor3A_1030 : vector<16xi32>
          %lt3A_1032 = arith.constant 0 : i32
          %lt3A_1033 = vector.broadcast %lt3A_1032 : i32 to vector<16xi32>
          %lt3A_1034 = arith.cmpi slt, %xor3A_1031, %lt3A_1033 : vector<16xi32>
          %add3A_1035 = arith.constant 16 : i32
          %add3A_1036 = vector.broadcast %add3A_1035 : i32 to vector<16xi32>
          %add3A_1037 = arith.addi %xor3A_1031, %add3A_1036 : vector<16xi32>
          %select_n3A_1038 = arith.select %lt3A_1034, %add3A_1037, %xor3A_1031 : vector<16xi1>, vector<16xi32>
          %broadcast_in_dim3A_1039 = vector.shape_cast %select_n3A_1038 : vector<16xi32> to vector<16x1xi32>
          %gather3A_1040 = vector.shape_cast %broadcast_in_dim3A_1039 : vector<16x1xi32> to vector<16xi32>
          %gather3A_1041 = tpu.dynamic_gather %max3A_1028[%gather3A_1040] in [0] : vector<16xf32>, vector<16xi32> -> vector<16xf32>
          %max3A_1042 = arith.maximumf %max3A_1028, %gather3A_1041 : vector<16xf32>
          %xor3A_1043 = arith.constant 4 : i32
          %xor3A_1044 = vector.broadcast %xor3A_1043 : i32 to vector<16xi32>
          %xor3A_1045 = arith.xori %iota3A, %xor3A_1044 : vector<16xi32>
          %lt3A_1046 = arith.constant 0 : i32
          %lt3A_1047 = vector.broadcast %lt3A_1046 : i32 to vector<16xi32>
          %lt3A_1048 = arith.cmpi slt, %xor3A_1045, %lt3A_1047 : vector<16xi32>
          %add3A_1049 = arith.constant 16 : i32
          %add3A_1050 = vector.broadcast %add3A_1049 : i32 to vector<16xi32>
          %add3A_1051 = arith.addi %xor3A_1045, %add3A_1050 : vector<16xi32>
          %select_n3A_1052 = arith.select %lt3A_1048, %add3A_1051, %xor3A_1045 : vector<16xi1>, vector<16xi32>
          %broadcast_in_dim3A_1053 = vector.shape_cast %select_n3A_1052 : vector<16xi32> to vector<16x1xi32>
          %gather3A_1054 = vector.shape_cast %broadcast_in_dim3A_1053 : vector<16x1xi32> to vector<16xi32>
          %gather3A_1055 = tpu.dynamic_gather %max3A_1042[%gather3A_1054] in [0] : vector<16xf32>, vector<16xi32> -> vector<16xf32>
          %max3A_1056 = arith.maximumf %max3A_1042, %gather3A_1055 : vector<16xf32>
          %xor3A_1057 = arith.constant 8 : i32
          %xor3A_1058 = vector.broadcast %xor3A_1057 : i32 to vector<16xi32>
          %xor3A_1059 = arith.xori %iota3A, %xor3A_1058 : vector<16xi32>
          %lt3A_1060 = arith.constant 0 : i32
          %lt3A_1061 = vector.broadcast %lt3A_1060 : i32 to vector<16xi32>
          %lt3A_1062 = arith.cmpi slt, %xor3A_1059, %lt3A_1061 : vector<16xi32>
          %add3A_1063 = arith.constant 16 : i32
          %add3A_1064 = vector.broadcast %add3A_1063 : i32 to vector<16xi32>
          %add3A_1065 = arith.addi %xor3A_1059, %add3A_1064 : vector<16xi32>
          %select_n3A_1066 = arith.select %lt3A_1062, %add3A_1065, %xor3A_1059 : vector<16xi1>, vector<16xi32>
          %broadcast_in_dim3A_1067 = vector.shape_cast %select_n3A_1066 : vector<16xi32> to vector<16x1xi32>
          %gather3A_1068 = vector.shape_cast %broadcast_in_dim3A_1067 : vector<16x1xi32> to vector<16xi32>
          %gather3A_1069 = tpu.dynamic_gather %max3A_1056[%gather3A_1068] in [0] : vector<16xf32>, vector<16xi32> -> vector<16xf32>
          %max3A_1070 = arith.maximumf %max3A_1056, %gather3A_1069 : vector<16xf32>
          %eq3A_1071 = arith.cmpf oeq, %select_n3A_998, %max3A_1070 : vector<16xf32>
          %jit3A_1072 = arith.constant 16 : i32
          %broadcast_in_dim3A_1073 = vector.broadcast %jit3A_1072 : i32 to vector<16xi32>
          %select_n3A_1074 = arith.select %eq3A_1071, %iota3A, %broadcast_in_dim3A_1073 : vector<16xi1>, vector<16xi32>
          %xor3A_1075 = arith.constant 1 : i32
          %xor3A_1076 = vector.broadcast %xor3A_1075 : i32 to vector<16xi32>
          %xor3A_1077 = arith.xori %iota3A, %xor3A_1076 : vector<16xi32>
          %lt3A_1078 = arith.constant 0 : i32
          %lt3A_1079 = vector.broadcast %lt3A_1078 : i32 to vector<16xi32>
          %lt3A_1080 = arith.cmpi slt, %xor3A_1077, %lt3A_1079 : vector<16xi32>
          %add3A_1081 = arith.constant 16 : i32
          %add3A_1082 = vector.broadcast %add3A_1081 : i32 to vector<16xi32>
          %add3A_1083 = arith.addi %xor3A_1077, %add3A_1082 : vector<16xi32>
          %select_n3A_1084 = arith.select %lt3A_1080, %add3A_1083, %xor3A_1077 : vector<16xi1>, vector<16xi32>
          %broadcast_in_dim3A_1085 = vector.shape_cast %select_n3A_1084 : vector<16xi32> to vector<16x1xi32>
          %gather3A_1086 = vector.shape_cast %broadcast_in_dim3A_1085 : vector<16x1xi32> to vector<16xi32>
          %gather3A_1087 = tpu.dynamic_gather %select_n3A_1074[%gather3A_1086] in [0] : vector<16xi32>, vector<16xi32> -> vector<16xi32>
          %min3A_1088 = arith.minsi %select_n3A_1074, %gather3A_1087 : vector<16xi32>
          %xor3A_1089 = arith.constant 2 : i32
          %xor3A_1090 = vector.broadcast %xor3A_1089 : i32 to vector<16xi32>
          %xor3A_1091 = arith.xori %iota3A, %xor3A_1090 : vector<16xi32>
          %lt3A_1092 = arith.constant 0 : i32
          %lt3A_1093 = vector.broadcast %lt3A_1092 : i32 to vector<16xi32>
          %lt3A_1094 = arith.cmpi slt, %xor3A_1091, %lt3A_1093 : vector<16xi32>
          %add3A_1095 = arith.constant 16 : i32
          %add3A_1096 = vector.broadcast %add3A_1095 : i32 to vector<16xi32>
          %add3A_1097 = arith.addi %xor3A_1091, %add3A_1096 : vector<16xi32>
          %select_n3A_1098 = arith.select %lt3A_1094, %add3A_1097, %xor3A_1091 : vector<16xi1>, vector<16xi32>
          %broadcast_in_dim3A_1099 = vector.shape_cast %select_n3A_1098 : vector<16xi32> to vector<16x1xi32>
          %gather3A_1100 = vector.shape_cast %broadcast_in_dim3A_1099 : vector<16x1xi32> to vector<16xi32>
          %gather3A_1101 = tpu.dynamic_gather %min3A_1088[%gather3A_1100] in [0] : vector<16xi32>, vector<16xi32> -> vector<16xi32>
          %min3A_1102 = arith.minsi %min3A_1088, %gather3A_1101 : vector<16xi32>
          %xor3A_1103 = arith.constant 4 : i32
          %xor3A_1104 = vector.broadcast %xor3A_1103 : i32 to vector<16xi32>
          %xor3A_1105 = arith.xori %iota3A, %xor3A_1104 : vector<16xi32>
          %lt3A_1106 = arith.constant 0 : i32
          %lt3A_1107 = vector.broadcast %lt3A_1106 : i32 to vector<16xi32>
          %lt3A_1108 = arith.cmpi slt, %xor3A_1105, %lt3A_1107 : vector<16xi32>
          %add3A_1109 = arith.constant 16 : i32
          %add3A_1110 = vector.broadcast %add3A_1109 : i32 to vector<16xi32>
          %add3A_1111 = arith.addi %xor3A_1105, %add3A_1110 : vector<16xi32>
          %select_n3A_1112 = arith.select %lt3A_1108, %add3A_1111, %xor3A_1105 : vector<16xi1>, vector<16xi32>
          %broadcast_in_dim3A_1113 = vector.shape_cast %select_n3A_1112 : vector<16xi32> to vector<16x1xi32>
          %gather3A_1114 = vector.shape_cast %broadcast_in_dim3A_1113 : vector<16x1xi32> to vector<16xi32>
          %gather3A_1115 = tpu.dynamic_gather %min3A_1102[%gather3A_1114] in [0] : vector<16xi32>, vector<16xi32> -> vector<16xi32>
          %min3A_1116 = arith.minsi %min3A_1102, %gather3A_1115 : vector<16xi32>
          %xor3A_1117 = arith.constant 8 : i32
          %xor3A_1118 = vector.broadcast %xor3A_1117 : i32 to vector<16xi32>
          %xor3A_1119 = arith.xori %iota3A, %xor3A_1118 : vector<16xi32>
          %lt3A_1120 = arith.constant 0 : i32
          %lt3A_1121 = vector.broadcast %lt3A_1120 : i32 to vector<16xi32>
          %lt3A_1122 = arith.cmpi slt, %xor3A_1119, %lt3A_1121 : vector<16xi32>
          %add3A_1123 = arith.constant 16 : i32
          %add3A_1124 = vector.broadcast %add3A_1123 : i32 to vector<16xi32>
          %add3A_1125 = arith.addi %xor3A_1119, %add3A_1124 : vector<16xi32>
          %select_n3A_1126 = arith.select %lt3A_1122, %add3A_1125, %xor3A_1119 : vector<16xi1>, vector<16xi32>
          %broadcast_in_dim3A_1127 = vector.shape_cast %select_n3A_1126 : vector<16xi32> to vector<16x1xi32>
          %gather3A_1128 = vector.shape_cast %broadcast_in_dim3A_1127 : vector<16x1xi32> to vector<16xi32>
          %gather3A_1129 = tpu.dynamic_gather %min3A_1116[%gather3A_1128] in [0] : vector<16xi32>, vector<16xi32> -> vector<16xi32>
          %min3A_1130 = arith.minsi %min3A_1116, %gather3A_1129 : vector<16xi32>
          %eq3A_1131 = arith.cmpi eq, %iota3A, %min3A_1130 : vector<16xi32>
          %select_n3A_1132 = arith.select %eq3A_1131, %select_n3A_999, %select_n3A_998 : vector<16xi1>, vector<16xf32>
          %select_n3A_1133 = arith.select %eq3A_1131, %select_n3A_1000, %select_n3A_999 : vector<16xi1>, vector<16xf32>
          %select_n3A_1134 = arith.select %eq3A_1131, %select_n3A_1001, %select_n3A_1000 : vector<16xi1>, vector<16xf32>
          %select_n3A_1135 = arith.select %eq3A_1131, %select_n3A_1004, %select_n3A_1001 : vector<16xi1>, vector<16xf32>
          %jit3A_1136 = arith.constant -3.000000e+38 : f32
          %broadcast_in_dim3A_1137 = vector.broadcast %jit3A_1136 : f32 to vector<16xf32>
          %select_n3A_1138 = arith.select %eq3A_1131, %broadcast_in_dim3A_1137, %select_n3A_1004 : vector<16xi1>, vector<16xf32>
          %max3A_1139 = arith.maximumf %max3A_1005, %max3A_1070 : vector<16xf32>
          %min3A_1140 = arith.minimumf %max3A_1005, %max3A_1070 : vector<16xf32>
          %max3A_1141 = arith.maximumf %max3A_1007, %min3A_1140 : vector<16xf32>
          %min3A_1142 = arith.minimumf %max3A_1007, %min3A_1140 : vector<16xf32>
          %max3A_1143 = arith.maximumf %max3A_1009, %min3A_1142 : vector<16xf32>
          %min3A_1144 = arith.minimumf %max3A_1009, %min3A_1142 : vector<16xf32>
          %max3A_1145 = arith.maximumf %max3A_1011, %min3A_1144 : vector<16xf32>
          %min3A_1146 = arith.minimumf %max3A_1011, %min3A_1144 : vector<16xf32>
          %max3A_1147 = arith.maximumf %max3A_1013, %min3A_1146 : vector<16xf32>
          %min3A_1148 = arith.minimumf %max3A_1013, %min3A_1146 : vector<16xf32>
          %xor3A_1149 = arith.constant 1 : i32
          %xor3A_1150 = vector.broadcast %xor3A_1149 : i32 to vector<16xi32>
          %xor3A_1151 = arith.xori %iota3A, %xor3A_1150 : vector<16xi32>
          %lt3A_1152 = arith.constant 0 : i32
          %lt3A_1153 = vector.broadcast %lt3A_1152 : i32 to vector<16xi32>
          %lt3A_1154 = arith.cmpi slt, %xor3A_1151, %lt3A_1153 : vector<16xi32>
          %add3A_1155 = arith.constant 16 : i32
          %add3A_1156 = vector.broadcast %add3A_1155 : i32 to vector<16xi32>
          %add3A_1157 = arith.addi %xor3A_1151, %add3A_1156 : vector<16xi32>
          %select_n3A_1158 = arith.select %lt3A_1154, %add3A_1157, %xor3A_1151 : vector<16xi1>, vector<16xi32>
          %broadcast_in_dim3A_1159 = vector.shape_cast %select_n3A_1158 : vector<16xi32> to vector<16x1xi32>
          %gather3A_1160 = vector.shape_cast %broadcast_in_dim3A_1159 : vector<16x1xi32> to vector<16xi32>
          %gather3A_1161 = tpu.dynamic_gather %select_n3A_1132[%gather3A_1160] in [0] : vector<16xf32>, vector<16xi32> -> vector<16xf32>
          %max3A_1162 = arith.maximumf %select_n3A_1132, %gather3A_1161 : vector<16xf32>
          %xor3A_1163 = arith.constant 2 : i32
          %xor3A_1164 = vector.broadcast %xor3A_1163 : i32 to vector<16xi32>
          %xor3A_1165 = arith.xori %iota3A, %xor3A_1164 : vector<16xi32>
          %lt3A_1166 = arith.constant 0 : i32
          %lt3A_1167 = vector.broadcast %lt3A_1166 : i32 to vector<16xi32>
          %lt3A_1168 = arith.cmpi slt, %xor3A_1165, %lt3A_1167 : vector<16xi32>
          %add3A_1169 = arith.constant 16 : i32
          %add3A_1170 = vector.broadcast %add3A_1169 : i32 to vector<16xi32>
          %add3A_1171 = arith.addi %xor3A_1165, %add3A_1170 : vector<16xi32>
          %select_n3A_1172 = arith.select %lt3A_1168, %add3A_1171, %xor3A_1165 : vector<16xi1>, vector<16xi32>
          %broadcast_in_dim3A_1173 = vector.shape_cast %select_n3A_1172 : vector<16xi32> to vector<16x1xi32>
          %gather3A_1174 = vector.shape_cast %broadcast_in_dim3A_1173 : vector<16x1xi32> to vector<16xi32>
          %gather3A_1175 = tpu.dynamic_gather %max3A_1162[%gather3A_1174] in [0] : vector<16xf32>, vector<16xi32> -> vector<16xf32>
          %max3A_1176 = arith.maximumf %max3A_1162, %gather3A_1175 : vector<16xf32>
          %xor3A_1177 = arith.constant 4 : i32
          %xor3A_1178 = vector.broadcast %xor3A_1177 : i32 to vector<16xi32>
          %xor3A_1179 = arith.xori %iota3A, %xor3A_1178 : vector<16xi32>
          %lt3A_1180 = arith.constant 0 : i32
          %lt3A_1181 = vector.broadcast %lt3A_1180 : i32 to vector<16xi32>
          %lt3A_1182 = arith.cmpi slt, %xor3A_1179, %lt3A_1181 : vector<16xi32>
          %add3A_1183 = arith.constant 16 : i32
          %add3A_1184 = vector.broadcast %add3A_1183 : i32 to vector<16xi32>
          %add3A_1185 = arith.addi %xor3A_1179, %add3A_1184 : vector<16xi32>
          %select_n3A_1186 = arith.select %lt3A_1182, %add3A_1185, %xor3A_1179 : vector<16xi1>, vector<16xi32>
          %broadcast_in_dim3A_1187 = vector.shape_cast %select_n3A_1186 : vector<16xi32> to vector<16x1xi32>
          %gather3A_1188 = vector.shape_cast %broadcast_in_dim3A_1187 : vector<16x1xi32> to vector<16xi32>
          %gather3A_1189 = tpu.dynamic_gather %max3A_1176[%gather3A_1188] in [0] : vector<16xf32>, vector<16xi32> -> vector<16xf32>
          %max3A_1190 = arith.maximumf %max3A_1176, %gather3A_1189 : vector<16xf32>
          %xor3A_1191 = arith.constant 8 : i32
          %xor3A_1192 = vector.broadcast %xor3A_1191 : i32 to vector<16xi32>
          %xor3A_1193 = arith.xori %iota3A, %xor3A_1192 : vector<16xi32>
          %lt3A_1194 = arith.constant 0 : i32
          %lt3A_1195 = vector.broadcast %lt3A_1194 : i32 to vector<16xi32>
          %lt3A_1196 = arith.cmpi slt, %xor3A_1193, %lt3A_1195 : vector<16xi32>
          %add3A_1197 = arith.constant 16 : i32
          %add3A_1198 = vector.broadcast %add3A_1197 : i32 to vector<16xi32>
          %add3A_1199 = arith.addi %xor3A_1193, %add3A_1198 : vector<16xi32>
          %select_n3A_1200 = arith.select %lt3A_1196, %add3A_1199, %xor3A_1193 : vector<16xi1>, vector<16xi32>
          %broadcast_in_dim3A_1201 = vector.shape_cast %select_n3A_1200 : vector<16xi32> to vector<16x1xi32>
          %gather3A_1202 = vector.shape_cast %broadcast_in_dim3A_1201 : vector<16x1xi32> to vector<16xi32>
          %gather3A_1203 = tpu.dynamic_gather %max3A_1190[%gather3A_1202] in [0] : vector<16xf32>, vector<16xi32> -> vector<16xf32>
          %max3A_1204 = arith.maximumf %max3A_1190, %gather3A_1203 : vector<16xf32>
          %eq3A_1205 = arith.cmpf oeq, %select_n3A_1132, %max3A_1204 : vector<16xf32>
          %jit3A_1206 = arith.constant 16 : i32
          %broadcast_in_dim3A_1207 = vector.broadcast %jit3A_1206 : i32 to vector<16xi32>
          %select_n3A_1208 = arith.select %eq3A_1205, %iota3A, %broadcast_in_dim3A_1207 : vector<16xi1>, vector<16xi32>
          %xor3A_1209 = arith.constant 1 : i32
          %xor3A_1210 = vector.broadcast %xor3A_1209 : i32 to vector<16xi32>
          %xor3A_1211 = arith.xori %iota3A, %xor3A_1210 : vector<16xi32>
          %lt3A_1212 = arith.constant 0 : i32
          %lt3A_1213 = vector.broadcast %lt3A_1212 : i32 to vector<16xi32>
          %lt3A_1214 = arith.cmpi slt, %xor3A_1211, %lt3A_1213 : vector<16xi32>
          %add3A_1215 = arith.constant 16 : i32
          %add3A_1216 = vector.broadcast %add3A_1215 : i32 to vector<16xi32>
          %add3A_1217 = arith.addi %xor3A_1211, %add3A_1216 : vector<16xi32>
          %select_n3A_1218 = arith.select %lt3A_1214, %add3A_1217, %xor3A_1211 : vector<16xi1>, vector<16xi32>
          %broadcast_in_dim3A_1219 = vector.shape_cast %select_n3A_1218 : vector<16xi32> to vector<16x1xi32>
          %gather3A_1220 = vector.shape_cast %broadcast_in_dim3A_1219 : vector<16x1xi32> to vector<16xi32>
          %gather3A_1221 = tpu.dynamic_gather %select_n3A_1208[%gather3A_1220] in [0] : vector<16xi32>, vector<16xi32> -> vector<16xi32>
          %min3A_1222 = arith.minsi %select_n3A_1208, %gather3A_1221 : vector<16xi32>
          %xor3A_1223 = arith.constant 2 : i32
          %xor3A_1224 = vector.broadcast %xor3A_1223 : i32 to vector<16xi32>
          %xor3A_1225 = arith.xori %iota3A, %xor3A_1224 : vector<16xi32>
          %lt3A_1226 = arith.constant 0 : i32
          %lt3A_1227 = vector.broadcast %lt3A_1226 : i32 to vector<16xi32>
          %lt3A_1228 = arith.cmpi slt, %xor3A_1225, %lt3A_1227 : vector<16xi32>
          %add3A_1229 = arith.constant 16 : i32
          %add3A_1230 = vector.broadcast %add3A_1229 : i32 to vector<16xi32>
          %add3A_1231 = arith.addi %xor3A_1225, %add3A_1230 : vector<16xi32>
          %select_n3A_1232 = arith.select %lt3A_1228, %add3A_1231, %xor3A_1225 : vector<16xi1>, vector<16xi32>
          %broadcast_in_dim3A_1233 = vector.shape_cast %select_n3A_1232 : vector<16xi32> to vector<16x1xi32>
          %gather3A_1234 = vector.shape_cast %broadcast_in_dim3A_1233 : vector<16x1xi32> to vector<16xi32>
          %gather3A_1235 = tpu.dynamic_gather %min3A_1222[%gather3A_1234] in [0] : vector<16xi32>, vector<16xi32> -> vector<16xi32>
          %min3A_1236 = arith.minsi %min3A_1222, %gather3A_1235 : vector<16xi32>
          %xor3A_1237 = arith.constant 4 : i32
          %xor3A_1238 = vector.broadcast %xor3A_1237 : i32 to vector<16xi32>
          %xor3A_1239 = arith.xori %iota3A, %xor3A_1238 : vector<16xi32>
          %lt3A_1240 = arith.constant 0 : i32
          %lt3A_1241 = vector.broadcast %lt3A_1240 : i32 to vector<16xi32>
          %lt3A_1242 = arith.cmpi slt, %xor3A_1239, %lt3A_1241 : vector<16xi32>
          %add3A_1243 = arith.constant 16 : i32
          %add3A_1244 = vector.broadcast %add3A_1243 : i32 to vector<16xi32>
          %add3A_1245 = arith.addi %xor3A_1239, %add3A_1244 : vector<16xi32>
          %select_n3A_1246 = arith.select %lt3A_1242, %add3A_1245, %xor3A_1239 : vector<16xi1>, vector<16xi32>
          %broadcast_in_dim3A_1247 = vector.shape_cast %select_n3A_1246 : vector<16xi32> to vector<16x1xi32>
          %gather3A_1248 = vector.shape_cast %broadcast_in_dim3A_1247 : vector<16x1xi32> to vector<16xi32>
          %gather3A_1249 = tpu.dynamic_gather %min3A_1236[%gather3A_1248] in [0] : vector<16xi32>, vector<16xi32> -> vector<16xi32>
          %min3A_1250 = arith.minsi %min3A_1236, %gather3A_1249 : vector<16xi32>
          %xor3A_1251 = arith.constant 8 : i32
          %xor3A_1252 = vector.broadcast %xor3A_1251 : i32 to vector<16xi32>
          %xor3A_1253 = arith.xori %iota3A, %xor3A_1252 : vector<16xi32>
          %lt3A_1254 = arith.constant 0 : i32
          %lt3A_1255 = vector.broadcast %lt3A_1254 : i32 to vector<16xi32>
          %lt3A_1256 = arith.cmpi slt, %xor3A_1253, %lt3A_1255 : vector<16xi32>
          %add3A_1257 = arith.constant 16 : i32
          %add3A_1258 = vector.broadcast %add3A_1257 : i32 to vector<16xi32>
          %add3A_1259 = arith.addi %xor3A_1253, %add3A_1258 : vector<16xi32>
          %select_n3A_1260 = arith.select %lt3A_1256, %add3A_1259, %xor3A_1253 : vector<16xi1>, vector<16xi32>
          %broadcast_in_dim3A_1261 = vector.shape_cast %select_n3A_1260 : vector<16xi32> to vector<16x1xi32>
          %gather3A_1262 = vector.shape_cast %broadcast_in_dim3A_1261 : vector<16x1xi32> to vector<16xi32>
          %gather3A_1263 = tpu.dynamic_gather %min3A_1250[%gather3A_1262] in [0] : vector<16xi32>, vector<16xi32> -> vector<16xi32>
          %min3A_1264 = arith.minsi %min3A_1250, %gather3A_1263 : vector<16xi32>
          %eq3A_1265 = arith.cmpi eq, %iota3A, %min3A_1264 : vector<16xi32>
          %select_n3A_1266 = arith.select %eq3A_1265, %select_n3A_1133, %select_n3A_1132 : vector<16xi1>, vector<16xf32>
          %select_n3A_1267 = arith.select %eq3A_1265, %select_n3A_1134, %select_n3A_1133 : vector<16xi1>, vector<16xf32>
          %select_n3A_1268 = arith.select %eq3A_1265, %select_n3A_1135, %select_n3A_1134 : vector<16xi1>, vector<16xf32>
          %select_n3A_1269 = arith.select %eq3A_1265, %select_n3A_1138, %select_n3A_1135 : vector<16xi1>, vector<16xf32>
          %jit3A_1270 = arith.constant -3.000000e+38 : f32
          %broadcast_in_dim3A_1271 = vector.broadcast %jit3A_1270 : f32 to vector<16xf32>
          %select_n3A_1272 = arith.select %eq3A_1265, %broadcast_in_dim3A_1271, %select_n3A_1138 : vector<16xi1>, vector<16xf32>
          %max3A_1273 = arith.maximumf %max3A_1139, %max3A_1204 : vector<16xf32>
          %min3A_1274 = arith.minimumf %max3A_1139, %max3A_1204 : vector<16xf32>
          %max3A_1275 = arith.maximumf %max3A_1141, %min3A_1274 : vector<16xf32>
          %min3A_1276 = arith.minimumf %max3A_1141, %min3A_1274 : vector<16xf32>
          %max3A_1277 = arith.maximumf %max3A_1143, %min3A_1276 : vector<16xf32>
          %min3A_1278 = arith.minimumf %max3A_1143, %min3A_1276 : vector<16xf32>
          %max3A_1279 = arith.maximumf %max3A_1145, %min3A_1278 : vector<16xf32>
          %min3A_1280 = arith.minimumf %max3A_1145, %min3A_1278 : vector<16xf32>
          %max3A_1281 = arith.maximumf %max3A_1147, %min3A_1280 : vector<16xf32>
          %min3A_1282 = arith.minimumf %max3A_1147, %min3A_1280 : vector<16xf32>
          %xor3A_1283 = arith.constant 1 : i32
          %xor3A_1284 = vector.broadcast %xor3A_1283 : i32 to vector<16xi32>
          %xor3A_1285 = arith.xori %iota3A, %xor3A_1284 : vector<16xi32>
          %lt3A_1286 = arith.constant 0 : i32
          %lt3A_1287 = vector.broadcast %lt3A_1286 : i32 to vector<16xi32>
          %lt3A_1288 = arith.cmpi slt, %xor3A_1285, %lt3A_1287 : vector<16xi32>
          %add3A_1289 = arith.constant 16 : i32
          %add3A_1290 = vector.broadcast %add3A_1289 : i32 to vector<16xi32>
          %add3A_1291 = arith.addi %xor3A_1285, %add3A_1290 : vector<16xi32>
          %select_n3A_1292 = arith.select %lt3A_1288, %add3A_1291, %xor3A_1285 : vector<16xi1>, vector<16xi32>
          %broadcast_in_dim3A_1293 = vector.shape_cast %select_n3A_1292 : vector<16xi32> to vector<16x1xi32>
          %gather3A_1294 = vector.shape_cast %broadcast_in_dim3A_1293 : vector<16x1xi32> to vector<16xi32>
          %gather3A_1295 = tpu.dynamic_gather %select_n3A_1266[%gather3A_1294] in [0] : vector<16xf32>, vector<16xi32> -> vector<16xf32>
          %max3A_1296 = arith.maximumf %select_n3A_1266, %gather3A_1295 : vector<16xf32>
          %xor3A_1297 = arith.constant 2 : i32
          %xor3A_1298 = vector.broadcast %xor3A_1297 : i32 to vector<16xi32>
          %xor3A_1299 = arith.xori %iota3A, %xor3A_1298 : vector<16xi32>
          %lt3A_1300 = arith.constant 0 : i32
          %lt3A_1301 = vector.broadcast %lt3A_1300 : i32 to vector<16xi32>
          %lt3A_1302 = arith.cmpi slt, %xor3A_1299, %lt3A_1301 : vector<16xi32>
          %add3A_1303 = arith.constant 16 : i32
          %add3A_1304 = vector.broadcast %add3A_1303 : i32 to vector<16xi32>
          %add3A_1305 = arith.addi %xor3A_1299, %add3A_1304 : vector<16xi32>
          %select_n3A_1306 = arith.select %lt3A_1302, %add3A_1305, %xor3A_1299 : vector<16xi1>, vector<16xi32>
          %broadcast_in_dim3A_1307 = vector.shape_cast %select_n3A_1306 : vector<16xi32> to vector<16x1xi32>
          %gather3A_1308 = vector.shape_cast %broadcast_in_dim3A_1307 : vector<16x1xi32> to vector<16xi32>
          %gather3A_1309 = tpu.dynamic_gather %max3A_1296[%gather3A_1308] in [0] : vector<16xf32>, vector<16xi32> -> vector<16xf32>
          %max3A_1310 = arith.maximumf %max3A_1296, %gather3A_1309 : vector<16xf32>
          %xor3A_1311 = arith.constant 4 : i32
          %xor3A_1312 = vector.broadcast %xor3A_1311 : i32 to vector<16xi32>
          %xor3A_1313 = arith.xori %iota3A, %xor3A_1312 : vector<16xi32>
          %lt3A_1314 = arith.constant 0 : i32
          %lt3A_1315 = vector.broadcast %lt3A_1314 : i32 to vector<16xi32>
          %lt3A_1316 = arith.cmpi slt, %xor3A_1313, %lt3A_1315 : vector<16xi32>
          %add3A_1317 = arith.constant 16 : i32
          %add3A_1318 = vector.broadcast %add3A_1317 : i32 to vector<16xi32>
          %add3A_1319 = arith.addi %xor3A_1313, %add3A_1318 : vector<16xi32>
          %select_n3A_1320 = arith.select %lt3A_1316, %add3A_1319, %xor3A_1313 : vector<16xi1>, vector<16xi32>
          %broadcast_in_dim3A_1321 = vector.shape_cast %select_n3A_1320 : vector<16xi32> to vector<16x1xi32>
          %gather3A_1322 = vector.shape_cast %broadcast_in_dim3A_1321 : vector<16x1xi32> to vector<16xi32>
          %gather3A_1323 = tpu.dynamic_gather %max3A_1310[%gather3A_1322] in [0] : vector<16xf32>, vector<16xi32> -> vector<16xf32>
          %max3A_1324 = arith.maximumf %max3A_1310, %gather3A_1323 : vector<16xf32>
          %xor3A_1325 = arith.constant 8 : i32
          %xor3A_1326 = vector.broadcast %xor3A_1325 : i32 to vector<16xi32>
          %xor3A_1327 = arith.xori %iota3A, %xor3A_1326 : vector<16xi32>
          %lt3A_1328 = arith.constant 0 : i32
          %lt3A_1329 = vector.broadcast %lt3A_1328 : i32 to vector<16xi32>
          %lt3A_1330 = arith.cmpi slt, %xor3A_1327, %lt3A_1329 : vector<16xi32>
          %add3A_1331 = arith.constant 16 : i32
          %add3A_1332 = vector.broadcast %add3A_1331 : i32 to vector<16xi32>
          %add3A_1333 = arith.addi %xor3A_1327, %add3A_1332 : vector<16xi32>
          %select_n3A_1334 = arith.select %lt3A_1330, %add3A_1333, %xor3A_1327 : vector<16xi1>, vector<16xi32>
          %broadcast_in_dim3A_1335 = vector.shape_cast %select_n3A_1334 : vector<16xi32> to vector<16x1xi32>
          %gather3A_1336 = vector.shape_cast %broadcast_in_dim3A_1335 : vector<16x1xi32> to vector<16xi32>
          %gather3A_1337 = tpu.dynamic_gather %max3A_1324[%gather3A_1336] in [0] : vector<16xf32>, vector<16xi32> -> vector<16xf32>
          %max3A_1338 = arith.maximumf %max3A_1324, %gather3A_1337 : vector<16xf32>
          %eq3A_1339 = arith.cmpf oeq, %select_n3A_1266, %max3A_1338 : vector<16xf32>
          %jit3A_1340 = arith.constant 16 : i32
          %broadcast_in_dim3A_1341 = vector.broadcast %jit3A_1340 : i32 to vector<16xi32>
          %select_n3A_1342 = arith.select %eq3A_1339, %iota3A, %broadcast_in_dim3A_1341 : vector<16xi1>, vector<16xi32>
          %xor3A_1343 = arith.constant 1 : i32
          %xor3A_1344 = vector.broadcast %xor3A_1343 : i32 to vector<16xi32>
          %xor3A_1345 = arith.xori %iota3A, %xor3A_1344 : vector<16xi32>
          %lt3A_1346 = arith.constant 0 : i32
          %lt3A_1347 = vector.broadcast %lt3A_1346 : i32 to vector<16xi32>
          %lt3A_1348 = arith.cmpi slt, %xor3A_1345, %lt3A_1347 : vector<16xi32>
          %add3A_1349 = arith.constant 16 : i32
          %add3A_1350 = vector.broadcast %add3A_1349 : i32 to vector<16xi32>
          %add3A_1351 = arith.addi %xor3A_1345, %add3A_1350 : vector<16xi32>
          %select_n3A_1352 = arith.select %lt3A_1348, %add3A_1351, %xor3A_1345 : vector<16xi1>, vector<16xi32>
          %broadcast_in_dim3A_1353 = vector.shape_cast %select_n3A_1352 : vector<16xi32> to vector<16x1xi32>
          %gather3A_1354 = vector.shape_cast %broadcast_in_dim3A_1353 : vector<16x1xi32> to vector<16xi32>
          %gather3A_1355 = tpu.dynamic_gather %select_n3A_1342[%gather3A_1354] in [0] : vector<16xi32>, vector<16xi32> -> vector<16xi32>
          %min3A_1356 = arith.minsi %select_n3A_1342, %gather3A_1355 : vector<16xi32>
          %xor3A_1357 = arith.constant 2 : i32
          %xor3A_1358 = vector.broadcast %xor3A_1357 : i32 to vector<16xi32>
          %xor3A_1359 = arith.xori %iota3A, %xor3A_1358 : vector<16xi32>
          %lt3A_1360 = arith.constant 0 : i32
          %lt3A_1361 = vector.broadcast %lt3A_1360 : i32 to vector<16xi32>
          %lt3A_1362 = arith.cmpi slt, %xor3A_1359, %lt3A_1361 : vector<16xi32>
          %add3A_1363 = arith.constant 16 : i32
          %add3A_1364 = vector.broadcast %add3A_1363 : i32 to vector<16xi32>
          %add3A_1365 = arith.addi %xor3A_1359, %add3A_1364 : vector<16xi32>
          %select_n3A_1366 = arith.select %lt3A_1362, %add3A_1365, %xor3A_1359 : vector<16xi1>, vector<16xi32>
          %broadcast_in_dim3A_1367 = vector.shape_cast %select_n3A_1366 : vector<16xi32> to vector<16x1xi32>
          %gather3A_1368 = vector.shape_cast %broadcast_in_dim3A_1367 : vector<16x1xi32> to vector<16xi32>
          %gather3A_1369 = tpu.dynamic_gather %min3A_1356[%gather3A_1368] in [0] : vector<16xi32>, vector<16xi32> -> vector<16xi32>
          %min3A_1370 = arith.minsi %min3A_1356, %gather3A_1369 : vector<16xi32>
          %xor3A_1371 = arith.constant 4 : i32
          %xor3A_1372 = vector.broadcast %xor3A_1371 : i32 to vector<16xi32>
          %xor3A_1373 = arith.xori %iota3A, %xor3A_1372 : vector<16xi32>
          %lt3A_1374 = arith.constant 0 : i32
          %lt3A_1375 = vector.broadcast %lt3A_1374 : i32 to vector<16xi32>
          %lt3A_1376 = arith.cmpi slt, %xor3A_1373, %lt3A_1375 : vector<16xi32>
          %add3A_1377 = arith.constant 16 : i32
          %add3A_1378 = vector.broadcast %add3A_1377 : i32 to vector<16xi32>
          %add3A_1379 = arith.addi %xor3A_1373, %add3A_1378 : vector<16xi32>
          %select_n3A_1380 = arith.select %lt3A_1376, %add3A_1379, %xor3A_1373 : vector<16xi1>, vector<16xi32>
          %broadcast_in_dim3A_1381 = vector.shape_cast %select_n3A_1380 : vector<16xi32> to vector<16x1xi32>
          %gather3A_1382 = vector.shape_cast %broadcast_in_dim3A_1381 : vector<16x1xi32> to vector<16xi32>
          %gather3A_1383 = tpu.dynamic_gather %min3A_1370[%gather3A_1382] in [0] : vector<16xi32>, vector<16xi32> -> vector<16xi32>
          %min3A_1384 = arith.minsi %min3A_1370, %gather3A_1383 : vector<16xi32>
          %xor3A_1385 = arith.constant 8 : i32
          %xor3A_1386 = vector.broadcast %xor3A_1385 : i32 to vector<16xi32>
          %xor3A_1387 = arith.xori %iota3A, %xor3A_1386 : vector<16xi32>
          %lt3A_1388 = arith.constant 0 : i32
          %lt3A_1389 = vector.broadcast %lt3A_1388 : i32 to vector<16xi32>
          %lt3A_1390 = arith.cmpi slt, %xor3A_1387, %lt3A_1389 : vector<16xi32>
          %add3A_1391 = arith.constant 16 : i32
          %add3A_1392 = vector.broadcast %add3A_1391 : i32 to vector<16xi32>
          %add3A_1393 = arith.addi %xor3A_1387, %add3A_1392 : vector<16xi32>
          %select_n3A_1394 = arith.select %lt3A_1390, %add3A_1393, %xor3A_1387 : vector<16xi1>, vector<16xi32>
          %broadcast_in_dim3A_1395 = vector.shape_cast %select_n3A_1394 : vector<16xi32> to vector<16x1xi32>
          %gather3A_1396 = vector.shape_cast %broadcast_in_dim3A_1395 : vector<16x1xi32> to vector<16xi32>
          %gather3A_1397 = tpu.dynamic_gather %min3A_1384[%gather3A_1396] in [0] : vector<16xi32>, vector<16xi32> -> vector<16xi32>
          %min3A_1398 = arith.minsi %min3A_1384, %gather3A_1397 : vector<16xi32>
          %eq3A_1399 = arith.cmpi eq, %iota3A, %min3A_1398 : vector<16xi32>
          %select_n3A_1400 = arith.select %eq3A_1399, %select_n3A_1267, %select_n3A_1266 : vector<16xi1>, vector<16xf32>
          %select_n3A_1401 = arith.select %eq3A_1399, %select_n3A_1268, %select_n3A_1267 : vector<16xi1>, vector<16xf32>
          %select_n3A_1402 = arith.select %eq3A_1399, %select_n3A_1269, %select_n3A_1268 : vector<16xi1>, vector<16xf32>
          %select_n3A_1403 = arith.select %eq3A_1399, %select_n3A_1272, %select_n3A_1269 : vector<16xi1>, vector<16xf32>
          %jit3A_1404 = arith.constant -3.000000e+38 : f32
          %broadcast_in_dim3A_1405 = vector.broadcast %jit3A_1404 : f32 to vector<16xf32>
          %select_n3A_1406 = arith.select %eq3A_1399, %broadcast_in_dim3A_1405, %select_n3A_1272 : vector<16xi1>, vector<16xf32>
          %max3A_1407 = arith.maximumf %max3A_1273, %max3A_1338 : vector<16xf32>
          %min3A_1408 = arith.minimumf %max3A_1273, %max3A_1338 : vector<16xf32>
          %max3A_1409 = arith.maximumf %max3A_1275, %min3A_1408 : vector<16xf32>
          %min3A_1410 = arith.minimumf %max3A_1275, %min3A_1408 : vector<16xf32>
          %max3A_1411 = arith.maximumf %max3A_1277, %min3A_1410 : vector<16xf32>
          %min3A_1412 = arith.minimumf %max3A_1277, %min3A_1410 : vector<16xf32>
          %max3A_1413 = arith.maximumf %max3A_1279, %min3A_1412 : vector<16xf32>
          %min3A_1414 = arith.minimumf %max3A_1279, %min3A_1412 : vector<16xf32>
          %max3A_1415 = arith.maximumf %max3A_1281, %min3A_1414 : vector<16xf32>
          %min3A_1416 = arith.minimumf %max3A_1281, %min3A_1414 : vector<16xf32>
          %xor3A_1417 = arith.constant 1 : i32
          %xor3A_1418 = vector.broadcast %xor3A_1417 : i32 to vector<16xi32>
          %xor3A_1419 = arith.xori %iota3A, %xor3A_1418 : vector<16xi32>
          %lt3A_1420 = arith.constant 0 : i32
          %lt3A_1421 = vector.broadcast %lt3A_1420 : i32 to vector<16xi32>
          %lt3A_1422 = arith.cmpi slt, %xor3A_1419, %lt3A_1421 : vector<16xi32>
          %add3A_1423 = arith.constant 16 : i32
          %add3A_1424 = vector.broadcast %add3A_1423 : i32 to vector<16xi32>
          %add3A_1425 = arith.addi %xor3A_1419, %add3A_1424 : vector<16xi32>
          %select_n3A_1426 = arith.select %lt3A_1422, %add3A_1425, %xor3A_1419 : vector<16xi1>, vector<16xi32>
          %broadcast_in_dim3A_1427 = vector.shape_cast %select_n3A_1426 : vector<16xi32> to vector<16x1xi32>
          %gather3A_1428 = vector.shape_cast %broadcast_in_dim3A_1427 : vector<16x1xi32> to vector<16xi32>
          %gather3A_1429 = tpu.dynamic_gather %select_n3A_1400[%gather3A_1428] in [0] : vector<16xf32>, vector<16xi32> -> vector<16xf32>
          %max3A_1430 = arith.maximumf %select_n3A_1400, %gather3A_1429 : vector<16xf32>
          %xor3A_1431 = arith.constant 2 : i32
          %xor3A_1432 = vector.broadcast %xor3A_1431 : i32 to vector<16xi32>
          %xor3A_1433 = arith.xori %iota3A, %xor3A_1432 : vector<16xi32>
          %lt3A_1434 = arith.constant 0 : i32
          %lt3A_1435 = vector.broadcast %lt3A_1434 : i32 to vector<16xi32>
          %lt3A_1436 = arith.cmpi slt, %xor3A_1433, %lt3A_1435 : vector<16xi32>
          %add3A_1437 = arith.constant 16 : i32
          %add3A_1438 = vector.broadcast %add3A_1437 : i32 to vector<16xi32>
          %add3A_1439 = arith.addi %xor3A_1433, %add3A_1438 : vector<16xi32>
          %select_n3A_1440 = arith.select %lt3A_1436, %add3A_1439, %xor3A_1433 : vector<16xi1>, vector<16xi32>
          %broadcast_in_dim3A_1441 = vector.shape_cast %select_n3A_1440 : vector<16xi32> to vector<16x1xi32>
          %gather3A_1442 = vector.shape_cast %broadcast_in_dim3A_1441 : vector<16x1xi32> to vector<16xi32>
          %gather3A_1443 = tpu.dynamic_gather %max3A_1430[%gather3A_1442] in [0] : vector<16xf32>, vector<16xi32> -> vector<16xf32>
          %max3A_1444 = arith.maximumf %max3A_1430, %gather3A_1443 : vector<16xf32>
          %xor3A_1445 = arith.constant 4 : i32
          %xor3A_1446 = vector.broadcast %xor3A_1445 : i32 to vector<16xi32>
          %xor3A_1447 = arith.xori %iota3A, %xor3A_1446 : vector<16xi32>
          %lt3A_1448 = arith.constant 0 : i32
          %lt3A_1449 = vector.broadcast %lt3A_1448 : i32 to vector<16xi32>
          %lt3A_1450 = arith.cmpi slt, %xor3A_1447, %lt3A_1449 : vector<16xi32>
          %add3A_1451 = arith.constant 16 : i32
          %add3A_1452 = vector.broadcast %add3A_1451 : i32 to vector<16xi32>
          %add3A_1453 = arith.addi %xor3A_1447, %add3A_1452 : vector<16xi32>
          %select_n3A_1454 = arith.select %lt3A_1450, %add3A_1453, %xor3A_1447 : vector<16xi1>, vector<16xi32>
          %broadcast_in_dim3A_1455 = vector.shape_cast %select_n3A_1454 : vector<16xi32> to vector<16x1xi32>
          %gather3A_1456 = vector.shape_cast %broadcast_in_dim3A_1455 : vector<16x1xi32> to vector<16xi32>
          %gather3A_1457 = tpu.dynamic_gather %max3A_1444[%gather3A_1456] in [0] : vector<16xf32>, vector<16xi32> -> vector<16xf32>
          %max3A_1458 = arith.maximumf %max3A_1444, %gather3A_1457 : vector<16xf32>
          %xor3A_1459 = arith.constant 8 : i32
          %xor3A_1460 = vector.broadcast %xor3A_1459 : i32 to vector<16xi32>
          %xor3A_1461 = arith.xori %iota3A, %xor3A_1460 : vector<16xi32>
          %lt3A_1462 = arith.constant 0 : i32
          %lt3A_1463 = vector.broadcast %lt3A_1462 : i32 to vector<16xi32>
          %lt3A_1464 = arith.cmpi slt, %xor3A_1461, %lt3A_1463 : vector<16xi32>
          %add3A_1465 = arith.constant 16 : i32
          %add3A_1466 = vector.broadcast %add3A_1465 : i32 to vector<16xi32>
          %add3A_1467 = arith.addi %xor3A_1461, %add3A_1466 : vector<16xi32>
          %select_n3A_1468 = arith.select %lt3A_1464, %add3A_1467, %xor3A_1461 : vector<16xi1>, vector<16xi32>
          %broadcast_in_dim3A_1469 = vector.shape_cast %select_n3A_1468 : vector<16xi32> to vector<16x1xi32>
          %gather3A_1470 = vector.shape_cast %broadcast_in_dim3A_1469 : vector<16x1xi32> to vector<16xi32>
          %gather3A_1471 = tpu.dynamic_gather %max3A_1458[%gather3A_1470] in [0] : vector<16xf32>, vector<16xi32> -> vector<16xf32>
          %max3A_1472 = arith.maximumf %max3A_1458, %gather3A_1471 : vector<16xf32>
          %eq3A_1473 = arith.cmpf oeq, %select_n3A_1400, %max3A_1472 : vector<16xf32>
          %jit3A_1474 = arith.constant 16 : i32
          %broadcast_in_dim3A_1475 = vector.broadcast %jit3A_1474 : i32 to vector<16xi32>
          %select_n3A_1476 = arith.select %eq3A_1473, %iota3A, %broadcast_in_dim3A_1475 : vector<16xi1>, vector<16xi32>
          %xor3A_1477 = arith.constant 1 : i32
          %xor3A_1478 = vector.broadcast %xor3A_1477 : i32 to vector<16xi32>
          %xor3A_1479 = arith.xori %iota3A, %xor3A_1478 : vector<16xi32>
          %lt3A_1480 = arith.constant 0 : i32
          %lt3A_1481 = vector.broadcast %lt3A_1480 : i32 to vector<16xi32>
          %lt3A_1482 = arith.cmpi slt, %xor3A_1479, %lt3A_1481 : vector<16xi32>
          %add3A_1483 = arith.constant 16 : i32
          %add3A_1484 = vector.broadcast %add3A_1483 : i32 to vector<16xi32>
          %add3A_1485 = arith.addi %xor3A_1479, %add3A_1484 : vector<16xi32>
          %select_n3A_1486 = arith.select %lt3A_1482, %add3A_1485, %xor3A_1479 : vector<16xi1>, vector<16xi32>
          %broadcast_in_dim3A_1487 = vector.shape_cast %select_n3A_1486 : vector<16xi32> to vector<16x1xi32>
          %gather3A_1488 = vector.shape_cast %broadcast_in_dim3A_1487 : vector<16x1xi32> to vector<16xi32>
          %gather3A_1489 = tpu.dynamic_gather %select_n3A_1476[%gather3A_1488] in [0] : vector<16xi32>, vector<16xi32> -> vector<16xi32>
          %min3A_1490 = arith.minsi %select_n3A_1476, %gather3A_1489 : vector<16xi32>
          %xor3A_1491 = arith.constant 2 : i32
          %xor3A_1492 = vector.broadcast %xor3A_1491 : i32 to vector<16xi32>
          %xor3A_1493 = arith.xori %iota3A, %xor3A_1492 : vector<16xi32>
          %lt3A_1494 = arith.constant 0 : i32
          %lt3A_1495 = vector.broadcast %lt3A_1494 : i32 to vector<16xi32>
          %lt3A_1496 = arith.cmpi slt, %xor3A_1493, %lt3A_1495 : vector<16xi32>
          %add3A_1497 = arith.constant 16 : i32
          %add3A_1498 = vector.broadcast %add3A_1497 : i32 to vector<16xi32>
          %add3A_1499 = arith.addi %xor3A_1493, %add3A_1498 : vector<16xi32>
          %select_n3A_1500 = arith.select %lt3A_1496, %add3A_1499, %xor3A_1493 : vector<16xi1>, vector<16xi32>
          %broadcast_in_dim3A_1501 = vector.shape_cast %select_n3A_1500 : vector<16xi32> to vector<16x1xi32>
          %gather3A_1502 = vector.shape_cast %broadcast_in_dim3A_1501 : vector<16x1xi32> to vector<16xi32>
          %gather3A_1503 = tpu.dynamic_gather %min3A_1490[%gather3A_1502] in [0] : vector<16xi32>, vector<16xi32> -> vector<16xi32>
          %min3A_1504 = arith.minsi %min3A_1490, %gather3A_1503 : vector<16xi32>
          %xor3A_1505 = arith.constant 4 : i32
          %xor3A_1506 = vector.broadcast %xor3A_1505 : i32 to vector<16xi32>
          %xor3A_1507 = arith.xori %iota3A, %xor3A_1506 : vector<16xi32>
          %lt3A_1508 = arith.constant 0 : i32
          %lt3A_1509 = vector.broadcast %lt3A_1508 : i32 to vector<16xi32>
          %lt3A_1510 = arith.cmpi slt, %xor3A_1507, %lt3A_1509 : vector<16xi32>
          %add3A_1511 = arith.constant 16 : i32
          %add3A_1512 = vector.broadcast %add3A_1511 : i32 to vector<16xi32>
          %add3A_1513 = arith.addi %xor3A_1507, %add3A_1512 : vector<16xi32>
          %select_n3A_1514 = arith.select %lt3A_1510, %add3A_1513, %xor3A_1507 : vector<16xi1>, vector<16xi32>
          %broadcast_in_dim3A_1515 = vector.shape_cast %select_n3A_1514 : vector<16xi32> to vector<16x1xi32>
          %gather3A_1516 = vector.shape_cast %broadcast_in_dim3A_1515 : vector<16x1xi32> to vector<16xi32>
          %gather3A_1517 = tpu.dynamic_gather %min3A_1504[%gather3A_1516] in [0] : vector<16xi32>, vector<16xi32> -> vector<16xi32>
          %min3A_1518 = arith.minsi %min3A_1504, %gather3A_1517 : vector<16xi32>
          %xor3A_1519 = arith.constant 8 : i32
          %xor3A_1520 = vector.broadcast %xor3A_1519 : i32 to vector<16xi32>
          %xor3A_1521 = arith.xori %iota3A, %xor3A_1520 : vector<16xi32>
          %lt3A_1522 = arith.constant 0 : i32
          %lt3A_1523 = vector.broadcast %lt3A_1522 : i32 to vector<16xi32>
          %lt3A_1524 = arith.cmpi slt, %xor3A_1521, %lt3A_1523 : vector<16xi32>
          %add3A_1525 = arith.constant 16 : i32
          %add3A_1526 = vector.broadcast %add3A_1525 : i32 to vector<16xi32>
          %add3A_1527 = arith.addi %xor3A_1521, %add3A_1526 : vector<16xi32>
          %select_n3A_1528 = arith.select %lt3A_1524, %add3A_1527, %xor3A_1521 : vector<16xi1>, vector<16xi32>
          %broadcast_in_dim3A_1529 = vector.shape_cast %select_n3A_1528 : vector<16xi32> to vector<16x1xi32>
          %gather3A_1530 = vector.shape_cast %broadcast_in_dim3A_1529 : vector<16x1xi32> to vector<16xi32>
          %gather3A_1531 = tpu.dynamic_gather %min3A_1518[%gather3A_1530] in [0] : vector<16xi32>, vector<16xi32> -> vector<16xi32>
          %min3A_1532 = arith.minsi %min3A_1518, %gather3A_1531 : vector<16xi32>
          %eq3A_1533 = arith.cmpi eq, %iota3A, %min3A_1532 : vector<16xi32>
          %select_n3A_1534 = arith.select %eq3A_1533, %select_n3A_1401, %select_n3A_1400 : vector<16xi1>, vector<16xf32>
          %select_n3A_1535 = arith.select %eq3A_1533, %select_n3A_1402, %select_n3A_1401 : vector<16xi1>, vector<16xf32>
          %select_n3A_1536 = arith.select %eq3A_1533, %select_n3A_1403, %select_n3A_1402 : vector<16xi1>, vector<16xf32>
          %select_n3A_1537 = arith.select %eq3A_1533, %select_n3A_1406, %select_n3A_1403 : vector<16xi1>, vector<16xf32>
          %jit3A_1538 = arith.constant -3.000000e+38 : f32
          %broadcast_in_dim3A_1539 = vector.broadcast %jit3A_1538 : f32 to vector<16xf32>
          %select_n3A_1540 = arith.select %eq3A_1533, %broadcast_in_dim3A_1539, %select_n3A_1406 : vector<16xi1>, vector<16xf32>
          %max3A_1541 = arith.maximumf %max3A_1407, %max3A_1472 : vector<16xf32>
          %min3A_1542 = arith.minimumf %max3A_1407, %max3A_1472 : vector<16xf32>
          %max3A_1543 = arith.maximumf %max3A_1409, %min3A_1542 : vector<16xf32>
          %min3A_1544 = arith.minimumf %max3A_1409, %min3A_1542 : vector<16xf32>
          %max3A_1545 = arith.maximumf %max3A_1411, %min3A_1544 : vector<16xf32>
          %min3A_1546 = arith.minimumf %max3A_1411, %min3A_1544 : vector<16xf32>
          %max3A_1547 = arith.maximumf %max3A_1413, %min3A_1546 : vector<16xf32>
          %min3A_1548 = arith.minimumf %max3A_1413, %min3A_1546 : vector<16xf32>
          %max3A_1549 = arith.maximumf %max3A_1415, %min3A_1548 : vector<16xf32>
          %min3A_1550 = arith.minimumf %max3A_1415, %min3A_1548 : vector<16xf32>
          %swap3A_1551 = arith.constant 0 : i32
          %swap3A_1552 = arith.index_cast %swap3A_1551 : i32 to index
          %swap3A_1553 = arith.constant 0 : index
          %swap3A_1554 = tpu.vector_load %arg7[%swap3A_1552, %swap3A_1553] {strides = array<i32>} : memref<5x16xf32, #tpu.memory_space<vmem>>, vector<1x16xf32>,
          %swap3A_1555 = vector.shape_cast %swap3A_1554 : vector<1x16xf32> to vector<16xf32>
          %swap3A_1556 = vector.shape_cast %max3A_1541 : vector<16xf32> to vector<1x16xf32>
          tpu.vector_store %arg7[%swap3A_1552, %swap3A_1553], %swap3A_1556 {strides = array<i32>} : memref<5x16xf32, #tpu.memory_space<vmem>>, vector<1x16xf32>,
          %swap3A_1557 = arith.constant 1 : i32
          %swap3A_1558 = arith.index_cast %swap3A_1557 : i32 to index
          %swap3A_1559 = arith.constant 0 : index
          %swap3A_1560 = tpu.vector_load %arg7[%swap3A_1558, %swap3A_1559] {strides = array<i32>} : memref<5x16xf32, #tpu.memory_space<vmem>>, vector<1x16xf32>,
          %swap3A_1561 = vector.shape_cast %swap3A_1560 : vector<1x16xf32> to vector<16xf32>
          %swap3A_1562 = vector.shape_cast %max3A_1543 : vector<16xf32> to vector<1x16xf32>
          tpu.vector_store %arg7[%swap3A_1558, %swap3A_1559], %swap3A_1562 {strides = array<i32>} : memref<5x16xf32, #tpu.memory_space<vmem>>, vector<1x16xf32>,
          %swap3A_1563 = arith.constant 2 : i32
          %swap3A_1564 = arith.index_cast %swap3A_1563 : i32 to index
          %swap3A_1565 = arith.constant 0 : index
          %swap3A_1566 = tpu.vector_load %arg7[%swap3A_1564, %swap3A_1565] {strides = array<i32>} : memref<5x16xf32, #tpu.memory_space<vmem>>, vector<1x16xf32>,
          %swap3A_1567 = vector.shape_cast %swap3A_1566 : vector<1x16xf32> to vector<16xf32>
          %swap3A_1568 = vector.shape_cast %max3A_1545 : vector<16xf32> to vector<1x16xf32>
          tpu.vector_store %arg7[%swap3A_1564, %swap3A_1565], %swap3A_1568 {strides = array<i32>} : memref<5x16xf32, #tpu.memory_space<vmem>>, vector<1x16xf32>,
          %swap3A_1569 = arith.constant 3 : i32
          %swap3A_1570 = arith.index_cast %swap3A_1569 : i32 to index
          %swap3A_1571 = arith.constant 0 : index
          %swap3A_1572 = tpu.vector_load %arg7[%swap3A_1570, %swap3A_1571] {strides = array<i32>} : memref<5x16xf32, #tpu.memory_space<vmem>>, vector<1x16xf32>,
          %swap3A_1573 = vector.shape_cast %swap3A_1572 : vector<1x16xf32> to vector<16xf32>
          %swap3A_1574 = vector.shape_cast %max3A_1547 : vector<16xf32> to vector<1x16xf32>
          tpu.vector_store %arg7[%swap3A_1570, %swap3A_1571], %swap3A_1574 {strides = array<i32>} : memref<5x16xf32, #tpu.memory_space<vmem>>, vector<1x16xf32>,
          %swap3A_1575 = arith.constant 4 : i32
          %swap3A_1576 = arith.index_cast %swap3A_1575 : i32 to index
          %swap3A_1577 = arith.constant 0 : index
          %swap3A_1578 = tpu.vector_load %arg7[%swap3A_1576, %swap3A_1577] {strides = array<i32>} : memref<5x16xf32, #tpu.memory_space<vmem>>, vector<1x16xf32>,
          %swap3A_1579 = vector.shape_cast %swap3A_1578 : vector<1x16xf32> to vector<16xf32>
          %swap3A_1580 = vector.shape_cast %max3A_1549 : vector<16xf32> to vector<1x16xf32>
          tpu.vector_store %arg7[%swap3A_1576, %swap3A_1577], %swap3A_1580 {strides = array<i32>} : memref<5x16xf32, #tpu.memory_space<vmem>>, vector<1x16xf32>,
        } else {
        }
        scf.yield %add3A_437, %add3A_413, %add3A_421, %add3A_429 : vector<16xf32>, vector<16xf32>, vector<16xf32>, vector<16xf32>
      }
      %scan3A_126 = arith.constant 250 : i32
      %add3A_127 = arith.addf %scan3A_125#0, %scan3A_125#1 : vector<16xf32>
      %add3A_128 = arith.addf %scan3A_125#2, %scan3A_125#3 : vector<16xf32>
      %add3A_129 = arith.addf %add3A_127, %add3A_128 : vector<16xf32>
      %xor3A_130 = arith.constant 1 : i32
      %xor3A_131 = vector.broadcast %xor3A_130 : i32 to vector<16xi32>
      %xor3A_132 = arith.xori %iota3A, %xor3A_131 : vector<16xi32>
      %lt3A_133 = arith.constant 0 : i32
      %lt3A_134 = vector.broadcast %lt3A_133 : i32 to vector<16xi32>
      %lt3A_135 = arith.cmpi slt, %xor3A_132, %lt3A_134 : vector<16xi32>
      %add3A_136 = arith.constant 16 : i32
      %add3A_137 = vector.broadcast %add3A_136 : i32 to vector<16xi32>
      %add3A_138 = arith.addi %xor3A_132, %add3A_137 : vector<16xi32>
      %select_n3A_139 = arith.select %lt3A_135, %add3A_138, %xor3A_132 : vector<16xi1>, vector<16xi32>
      %broadcast_in_dim3A_140 = vector.shape_cast %select_n3A_139 : vector<16xi32> to vector<16x1xi32>
      %gather3A_141 = vector.shape_cast %broadcast_in_dim3A_140 : vector<16x1xi32> to vector<16xi32>
      %gather3A_142 = tpu.dynamic_gather %add3A_129[%gather3A_141] in [0] : vector<16xf32>, vector<16xi32> -> vector<16xf32>
      %add3A_143 = arith.addf %add3A_129, %gather3A_142 : vector<16xf32>
      %xor3A_144 = arith.constant 2 : i32
      %xor3A_145 = vector.broadcast %xor3A_144 : i32 to vector<16xi32>
      %xor3A_146 = arith.xori %iota3A, %xor3A_145 : vector<16xi32>
      %lt3A_147 = arith.constant 0 : i32
      %lt3A_148 = vector.broadcast %lt3A_147 : i32 to vector<16xi32>
      %lt3A_149 = arith.cmpi slt, %xor3A_146, %lt3A_148 : vector<16xi32>
      %add3A_150 = arith.constant 16 : i32
      %add3A_151 = vector.broadcast %add3A_150 : i32 to vector<16xi32>
      %add3A_152 = arith.addi %xor3A_146, %add3A_151 : vector<16xi32>
      %select_n3A_153 = arith.select %lt3A_149, %add3A_152, %xor3A_146 : vector<16xi1>, vector<16xi32>
      %broadcast_in_dim3A_154 = vector.shape_cast %select_n3A_153 : vector<16xi32> to vector<16x1xi32>
      %gather3A_155 = vector.shape_cast %broadcast_in_dim3A_154 : vector<16x1xi32> to vector<16xi32>
      %gather3A_156 = tpu.dynamic_gather %add3A_143[%gather3A_155] in [0] : vector<16xf32>, vector<16xi32> -> vector<16xf32>
      %add3A_157 = arith.addf %add3A_143, %gather3A_156 : vector<16xf32>
      %xor3A_158 = arith.constant 4 : i32
      %xor3A_159 = vector.broadcast %xor3A_158 : i32 to vector<16xi32>
      %xor3A_160 = arith.xori %iota3A, %xor3A_159 : vector<16xi32>
      %lt3A_161 = arith.constant 0 : i32
      %lt3A_162 = vector.broadcast %lt3A_161 : i32 to vector<16xi32>
      %lt3A_163 = arith.cmpi slt, %xor3A_160, %lt3A_162 : vector<16xi32>
      %add3A_164 = arith.constant 16 : i32
      %add3A_165 = vector.broadcast %add3A_164 : i32 to vector<16xi32>
      %add3A_166 = arith.addi %xor3A_160, %add3A_165 : vector<16xi32>
      %select_n3A_167 = arith.select %lt3A_163, %add3A_166, %xor3A_160 : vector<16xi1>, vector<16xi32>
      %broadcast_in_dim3A_168 = vector.shape_cast %select_n3A_167 : vector<16xi32> to vector<16x1xi32>
      %gather3A_169 = vector.shape_cast %broadcast_in_dim3A_168 : vector<16x1xi32> to vector<16xi32>
      %gather3A_170 = tpu.dynamic_gather %add3A_157[%gather3A_169] in [0] : vector<16xf32>, vector<16xi32> -> vector<16xf32>
      %add3A_171 = arith.addf %add3A_157, %gather3A_170 : vector<16xf32>
      %xor3A_172 = arith.constant 8 : i32
      %xor3A_173 = vector.broadcast %xor3A_172 : i32 to vector<16xi32>
      %xor3A_174 = arith.xori %iota3A, %xor3A_173 : vector<16xi32>
      %lt3A_175 = arith.constant 0 : i32
      %lt3A_176 = vector.broadcast %lt3A_175 : i32 to vector<16xi32>
      %lt3A_177 = arith.cmpi slt, %xor3A_174, %lt3A_176 : vector<16xi32>
      %add3A_178 = arith.constant 16 : i32
      %add3A_179 = vector.broadcast %add3A_178 : i32 to vector<16xi32>
      %add3A_180 = arith.addi %xor3A_174, %add3A_179 : vector<16xi32>
      %select_n3A_181 = arith.select %lt3A_177, %add3A_180, %xor3A_174 : vector<16xi1>, vector<16xi32>
      %broadcast_in_dim3A_182 = vector.shape_cast %select_n3A_181 : vector<16xi32> to vector<16x1xi32>
      %gather3A_183 = vector.shape_cast %broadcast_in_dim3A_182 : vector<16x1xi32> to vector<16xi32>
      %gather3A_184 = tpu.dynamic_gather %add3A_171[%gather3A_183] in [0] : vector<16xf32>, vector<16xi32> -> vector<16xf32>
      %add3A_185 = arith.addf %add3A_171, %gather3A_184 : vector<16xf32>
      %get3A_186 = arith.constant 4 : i32
      %get3A_187 = arith.index_cast %get3A_186 : i32 to index
      %get3A_188 = arith.constant 0 : index
      %get3A_189 = tpu.vector_load %arg7[%get3A_187, %get3A_188] {strides = array<i32>} : memref<5x16xf32, #tpu.memory_space<vmem>>, vector<1x16xf32>,
      %get3A_190 = vector.shape_cast %get3A_189 : vector<1x16xf32> to vector<16xf32>
      %get3A_191 = arith.constant 0 : i32
      %get3A_192 = arith.index_cast %get3A_191 : i32 to index
      %get3A_193 = arith.constant 0 : index
      %get3A_194 = tpu.vector_load %arg7[%get3A_192, %get3A_193] {strides = array<i32>} : memref<5x16xf32, #tpu.memory_space<vmem>>, vector<1x16xf32>,
      %get3A_195 = vector.shape_cast %get3A_194 : vector<1x16xf32> to vector<16xf32>
      %exp3A = math.exp %get3A_195 : vector<16xf32>
      %get3A_196 = arith.constant 1 : i32
      %get3A_197 = arith.index_cast %get3A_196 : i32 to index
      %get3A_198 = arith.constant 0 : index
      %get3A_199 = tpu.vector_load %arg7[%get3A_197, %get3A_198] {strides = array<i32>} : memref<5x16xf32, #tpu.memory_space<vmem>>, vector<1x16xf32>,
      %get3A_200 = vector.shape_cast %get3A_199 : vector<1x16xf32> to vector<16xf32>
      %exp3A_201 = math.exp %get3A_200 : vector<16xf32>
      %add3A_202 = arith.addf %exp3A, %exp3A_201 : vector<16xf32>
      %get3A_203 = arith.constant 2 : i32
      %get3A_204 = arith.index_cast %get3A_203 : i32 to index
      %get3A_205 = arith.constant 0 : index
      %get3A_206 = tpu.vector_load %arg7[%get3A_204, %get3A_205] {strides = array<i32>} : memref<5x16xf32, #tpu.memory_space<vmem>>, vector<1x16xf32>,
      %get3A_207 = vector.shape_cast %get3A_206 : vector<1x16xf32> to vector<16xf32>
      %exp3A_208 = math.exp %get3A_207 : vector<16xf32>
      %add3A_209 = arith.addf %add3A_202, %exp3A_208 : vector<16xf32>
      %get3A_210 = arith.constant 3 : i32
      %get3A_211 = arith.index_cast %get3A_210 : i32 to index
      %get3A_212 = arith.constant 0 : index
      %get3A_213 = tpu.vector_load %arg7[%get3A_211, %get3A_212] {strides = array<i32>} : memref<5x16xf32, #tpu.memory_space<vmem>>, vector<1x16xf32>,
      %get3A_214 = vector.shape_cast %get3A_213 : vector<1x16xf32> to vector<16xf32>
      %exp3A_215 = math.exp %get3A_214 : vector<16xf32>
      %add3A_216 = arith.addf %add3A_209, %exp3A_215 : vector<16xf32>
      %exp3A_217 = math.exp %get3A_190 : vector<16xf32>
      %add3A_218 = arith.addf %add3A_216, %exp3A_217 : vector<16xf32>
      %sub3A_219 = arith.subf %add3A_185, %add3A_218 : vector<16xf32>
      %exp3A_220 = math.exp %gather3A_89 : vector<16xf32>
      %div3A = arith.divf %sub3A_219, %exp3A_220 : vector<16xf32>
      %ge3A = arith.cmpf oge, %gather3A_89, %get3A_190 : vector<16xf32>
      %jit3A_221 = arith.constant 0.000000e+00 : f32
      %jit3A_222 = arith.constant 1.000000e+00 : f32
      %broadcast_in_dim3A_223 = vector.broadcast %jit3A_221 : f32 to vector<16xf32>
      %broadcast_in_dim3A_224 = vector.broadcast %jit3A_222 : f32 to vector<16xf32>
      %select_n3A_225 = arith.select %ge3A, %broadcast_in_dim3A_223, %broadcast_in_dim3A_224 : vector<16xi1>, vector<16xf32>
      %sub3A_226 = arith.subf %div3A, %select_n3A_225 : vector<16xf32>
      %swap3A_227 = arith.index_cast %scan3A_10 : i32 to index
      %swap3A_228 = arith.constant 0 : index
      %swap3A_229 = tpu.vector_load %arg8[%swap3A_227, %swap3A_228] {strides = array<i32>} : memref<4x16xf32, #tpu.memory_space<vmem>>, vector<1x16xf32>,
      %swap3A_230 = vector.shape_cast %swap3A_229 : vector<1x16xf32> to vector<16xf32>
      %swap3A_231 = vector.shape_cast %sub3A_226 : vector<16xf32> to vector<1x16xf32>
      tpu.vector_store %arg8[%swap3A_227, %swap3A_228], %swap3A_231 {strides = array<i32>} : memref<4x16xf32, #tpu.memory_space<vmem>>, vector<1x16xf32>,
      %scan3A_232 = arith.constant 0 : i32
      scf.yield %scan3A_232 : i32
    }
    %scan3A_9 = arith.constant 4 : i32
    "tpu.region"() ({
      %run_scoped3A = tpu.sem_alloc : memref<!tpu.dma_semaphore, #tpu.memory_space<semaphore_mem>>
      %dma_start3A = arith.constant 0 : i32
      %dma_start3A_10 = tpu.memref_slice %arg4[%mul3A_2, %dma_start3A] : memref<128x16xf32, #tpu.memory_space<hbm>> -> memref<4x16xf32, #tpu.memory_space<hbm>>
      %dma_start3A_11 = arith.constant 0 : i32
      %dma_start3A_12 = tpu.memref_slice %arg4[%mul3A_2, %dma_start3A_11] : memref<128x16xf32, #tpu.memory_space<hbm>> -> memref<4x16xf32, #tpu.memory_space<hbm>>
      tpu.enqueue_dma source(%arg8 : memref<4x16xf32, #tpu.memory_space<vmem>>) target(%dma_start3A_12 : memref<4x16xf32, #tpu.memory_space<hbm>>) target_semaphore(%run_scoped3A : memref<!tpu.dma_semaphore, #tpu.memory_space<semaphore_mem>>)
      %dma_wait3A = arith.constant 0 : i32
      %dma_wait3A_13 = tpu.memref_slice %arg4[%mul3A_2, %dma_wait3A] : memref<128x16xf32, #tpu.memory_space<hbm>> -> memref<4x16xf32, #tpu.memory_space<hbm>>
      %dma_wait3A_14 = arith.constant 0 : i32
      %dma_wait3A_15 = tpu.memref_slice %arg4[%mul3A_2, %dma_wait3A_14] : memref<128x16xf32, #tpu.memory_space<hbm>> -> memref<4x16xf32, #tpu.memory_space<hbm>>
      tpu.wait_dma2 semaphore(%run_scoped3A : memref<!tpu.dma_semaphore, #tpu.memory_space<semaphore_mem>>) src(%arg8 : memref<4x16xf32, #tpu.memory_space<vmem>>) dst(%dma_wait3A_15 : memref<4x16xf32, #tpu.memory_space<hbm>>)
      tpu.yield
    }) : () -> ()
    return
  }
}

module attributes {stable_mosaic.version = 14 : i64} {
  func.func @body(%arg0: memref<128x16xf32, #tpu.memory_space<vmem>>, %arg1: memref<1x1xf32, #tpu.memory_space<vmem>>) attributes {dimension_semantics = [], scalar_prefetch = 0 : i64, scratch_operands = 0 : i64, tpu.core_type = #tpu.core_type<tc>} {
    %get3A = arith.constant 0 : index
    %get3A_0 = arith.constant 0 : index
    %get3A_1 = vector.load %arg0[%get3A, %get3A_0] : memref<128x16xf32, #tpu.memory_space<vmem>>, vector<128x1xf32>
    %add3A = arith.constant 1.000000e+00 : f32
    %add3A_2 = vector.broadcast %add3A : f32 to vector<128x1xf32>
    %add3A_3 = arith.addf %add3A_2, %get3A_1 : vector<128x1xf32>
    %log3A = math.log %add3A_3 : vector<128x1xf32>
    %reduce_sum3A = arith.constant dense<0.000000e+00> : vector<1xf32>
    %reduce_sum3A_4 = vector.multi_reduction <add>, %log3A, %reduce_sum3A [0] : vector<128x1xf32> to vector<1xf32>
    %broadcast_in_dim3A = vector.shape_cast %reduce_sum3A_4 : vector<1xf32> to vector<1x1xf32>
    %mul3A = arith.constant 7.812500e-03 : f32
    %mul3A_5 = vector.broadcast %mul3A : f32 to vector<1x1xf32>
    %mul3A_6 = arith.mulf %broadcast_in_dim3A, %mul3A_5 : vector<1x1xf32>
    %swap3A = arith.constant 0 : index
    %swap3A_7 = arith.constant 0 : index
    %swap3A_8 = vector.load %arg1[%swap3A, %swap3A_7] : memref<1x1xf32, #tpu.memory_space<vmem>>, vector<1x1xf32>
    tpu.vector_store %arg1[%swap3A, %swap3A_7], %mul3A_6 {strides = array<i32>} : memref<1x1xf32, #tpu.memory_space<vmem>>, vector<1x1xf32>,
    return
  }
}

</mosaic_0001>

<sc_bundles>
// kernel: kernel.4.cloned.1.call-start
scs
__scs_entry_jumppad:
0x0: {  	(pc) =	sbr.rel $0x88, $3  }
0x1: {  	(tag) =	ssettag $0x0;
	lr =	simm.s32 $0x1  }
0x2: {  	[smem:$0x3F9F] =	sst lr;
	_ =	strace $0xD0000000  }
0x3: {  	_ = 	snop  }
0x4: {  	_ = 	snop  }
0x5: {  	_ = 	snop  }
0x6: {  	_ = 	snop  }
0x7: {  	_ = 	snop  }
__scs_overlays_trampoline_lowered:
0x8: {  	[smem:$0x3FAE] =	sst s0  }
0x9: {  	[smem:$0x3FAF] =	sst s1  }
0xa: {  	[smem:$0x3FB0] =	sst s2  }
0xb: {  	[smem:$0x3FB1] =	sst s3  }
0xc: {  	[smem:$0x3FB2] =	sst s4  }
0xd: {  	[smem:$0x3FB3] =	sst s5  }
0xe: {  	[smem:$0x3FB4] =	sst s6  }
0xf: {  	[smem:$0x3FB5] =	sst s7  }
0x10: {  	[smem:$0x3FB6] =	sst s8  }
0x11: {  	[smem:$0x3FB7] =	sst s9;
	s0 =	simm.s32 @!p0 $0x0  }
0x12: {  	s1 =	sld [smem:$0x3F9D];
	s0 =	simm.s32 @p0 $0x1  }
0x13: {  	[smem:$0x3FB8] =	sst s0;
	s0 =	simm.s32 @!p1 $0x0  }
0x14: {  	s2 =	sld [smem:$0x3F9C];
	s0 =	simm.s32 @p1 $0x1  }
0x15: {  	[smem:$0x3FB9] =	sst s0;
	s0 =	simm.s32 @!p2 $0x0  }
0x16: {  	s3 =	sld [smem:$0x3FDB];
	s0 =	simm.s32 @p2 $0x1  }
0x17: {  	s4 =	simm.s32 $0x1BF5;
	[smem:$0x3FBB] =	sst s0  }
0x18: {  	s0 =	sld [smem:$0x3F9E];
	_ =	swait.ge [sflag:s4], $0x0  }
0x19: {  	s7 =	sld [smem:$0x3F9F]  }
0x1a: {  	s8 =	sadd.s32 $0xFFFFE003, lr  }
0x1b: {  	s9 =	sadd.s32 $0xFFFFFEF7, lr;
	s5 =	simm.s32 $0xFFFFFFFF;
	p2 =	slt.u32 s8, $0xFFFFF086  }
0x1c: {  	p1 =	slt.u32 s9, $0xF7A;
	s5 =	simm.s32 @!p2 $0x0  }
0x1d: {  	s5 =	simm.s32 @p1 $0x1;
	p0 =	seq.s32 s7, s2  }
0x1e: {  	s7 =	smul.u32 @!p0 $0xF7A, s2;
	p2 =	seq.s32 @!p0 s5, $0x0  }
0x1f: {  	s9 =	smul.u32 $0xF7A, s1;
	s8 =	simm.s32 @!p0 $0x1BF5;
	p2 =	por !p2, p0  }
0x20: {  	[sflag:s8] =	ssyncset.s32 @!p0 $0xFFFFF086;
	s6 =	sadd.s32 @!p0 s3, s7;
	s7 =	simm.s32 @!p0 $0x108  }
0x21: {  	s3 =	sadd.s32 s3, s9;
	s6 =	sadd.s32 @!p0 $0x88, s6;
	s7 =	simm.s32 @p2 $0x1082  }
0x22: {  	[simem:s7], [sflag:s8] =	dma.local @!p0 [hbm:s6], $0xF7A  }
0x23: {  	s9 =	sor.u32 $0xD0000000, s2;
	s6 =	simm.s32 $0x108;
	_ =	swait.ge @!p0 [sflag:s8], $0x0  }
0x24: {  	s3 =	sadd.s32 $0x88, s3;
	s6 =	simm.s32 @!p1 $0x1082;
	[sflag:s4] =	ssyncset.s32 $0xFFFFF086  }
0x25: {  	[simem:s6], [sflag:s4] =	dma.local [hbm:s3], $0xF7A  }
0x26: {  	[smem:$0x3F9F] =	sst s1;
	(tag) =	ssettag s2;
	_ =	strace s9  }
0x27: {  	s1 =	sld [smem:$0x3FAF]  }
0x28: {  	s2 =	sld [smem:$0x3FB0]  }
0x29: {  	s4 =	sld [smem:$0x3FB2]  }
0x2a: {  	p0 =	seq.s32 s5, $0x0;
	s5 =	sld [smem:$0x3FB3]  }
0x2b: {  	s6 =	sld [smem:$0x3FB4]  }
0x2c: {  	s7 =	sld [smem:$0x3FB5]  }
0x2d: {  	s3 =	simm.s32 $0x108;
	s8 =	sld [smem:$0x3FB6]  }
0x2e: {  	s3 =	simm.s32 @!p0 $0x1082;
	s9 =	sld [smem:$0x3FB7]  }
0x2f: {  	lr =	sadd.s32 s0, s3;
	s0 =	sld [smem:$0x3FAE]  }
0x30: {  	s3 =	sld [smem:$0x3FB1]  }
0x31: {  	[smem:$0x3FBA] =	sst s10  }
0x32: {  	s10 =	sld [smem:$0x3FB8];
	_ =	sdelay $0x3  }
0x33: {  	p0 =	seq.s32 s10, $0x1;
	s10 =	sld [smem:$0x3FBA];
	_ =	sdelay $0x3  }
0x34: {  	[smem:$0x3FBA] =	sst s10  }
0x35: {  	s10 =	sld [smem:$0x3FB9];
	_ =	sdelay $0x3  }
0x36: {  	p1 =	seq.s32 s10, $0x1;
	s10 =	sld [smem:$0x3FBA];
	_ =	sdelay $0x3  }
0x37: {  	[smem:$0x3FBA] =	sst s10  }
0x38: {  	s10 =	sld [smem:$0x3FBB]  }
0x39: {  	_ = 	snop;
	(pc) =	sbr.ind lr, $3  }
0x3a: {  	_ = 	snop  }
0x3b: {  	_ = 	snop  }
0x3c: {  	p2 =	seq.s32 s10, $0x1;
	s10 =	sld [smem:$0x3FBA]  }
0x3d: {  	_ =	shalt  }
0x3e: {  	_ =	shalt  }
0x3f: {  	_ =	shalt  }
0x40: {  	_ =	shalt  }
0x41: {  	_ =	shalt  }
0x42: {  	_ =	shalt  }
0x43: {  	_ =	shalt  }
0x44: {  	_ =	shalt  }
0x45: {  	_ =	shalt  }
0x46: {  	_ =	shalt  }
0x47: {  	_ =	shalt  }
0x48: {  	_ =	shalt  }
0x49: {  	_ =	shalt  }
0x4a: {  	_ =	shalt  }
0x4b: {  	_ =	shalt  }
0x4c: {  	_ =	shalt  }
0x4d: {  	_ =	shalt  }
0x4e: {  	_ =	shalt  }
0x4f: {  	_ =	shalt  }
0x50: {  	_ =	shalt  }
0x51: {  	_ =	shalt  }
0x52: {  	_ =	shalt  }
0x53: {  	_ =	shalt  }
0x54: {  	_ =	shalt  }
0x55: {  	_ =	shalt  }
0x56: {  	_ =	shalt  }
0x57: {  	_ =	shalt  }
0x58: {  	_ =	shalt  }
0x59: {  	_ =	shalt  }
0x5a: {  	_ =	shalt  }
0x5b: {  	_ =	shalt  }
0x5c: {  	_ =	shalt  }
0x5d: {  	_ =	shalt  }
0x5e: {  	_ =	shalt  }
0x5f: {  	_ =	shalt  }
0x60: {  	_ =	shalt  }
0x61: {  	_ =	shalt  }
0x62: {  	_ =	shalt  }
0x63: {  	_ =	shalt  }
0x64: {  	_ =	shalt  }
0x65: {  	_ =	shalt  }
0x66: {  	_ =	shalt  }
0x67: {  	_ =	shalt  }
0x68: {  	_ =	shalt  }
0x69: {  	_ =	shalt  }
0x6a: {  	_ =	shalt  }
0x6b: {  	_ =	shalt  }
0x6c: {  	_ =	shalt  }
0x6d: {  	_ =	shalt  }
0x6e: {  	_ =	shalt  }
0x6f: {  	_ =	shalt  }
0x70: {  	_ =	shalt  }
0x71: {  	_ =	shalt  }
0x72: {  	_ =	shalt  }
0x73: {  	_ =	shalt  }
0x74: {  	_ =	shalt  }
0x75: {  	_ =	shalt  }
0x76: {  	_ =	shalt  }
0x77: {  	_ =	shalt  }
0x78: {  	_ =	shalt  }
0x79: {  	_ =	shalt  }
0x7a: {  	_ =	shalt  }
0x7b: {  	_ =	shalt  }
0x7c: {  	_ =	shalt  }
0x7d: {  	_ =	shalt  }
0x7e: {  	_ =	shalt  }
0x7f: {  	_ =	shalt  }
0x80: {  	_ =	shalt  }
0x81: {  	_ =	shalt  }
0x82: {  	_ =	shalt  }
0x83: {  	_ =	shalt  }
0x84: {  	_ =	shalt  }
0x85: {  	_ =	shalt  }
0x86: {  	_ =	shalt  }
0x87: {  	_ =	shalt  }
.Lfunc_end0:
.L_simem_size_0:
called_computation_lowered:
.L_overlay_start_0:
0x88: {  	s2 =	sld [smem:$0x3FD9]  }
0x89: {  	s3 =	sld [smem:$0x3FFE];
	_ =	sdelay $0x1  }
0x8a: {  	s1 =	srdreg.scid  }
0x8b: {  	s0 =	sand.u32 $0x1, s1  }
0x8c: {  	s17 =	sshll.u32 s0, $0xA;
	s2 =	sadd.s32 s3, s2  }
0x8d: {  	s2 =	sadd.s32 s2, s17  }
0x8e: {  	[smem:$0x3FC6] =	sst s2  }
0x8f: {  	_ = 	snop  }
0x90: {  	s2 =	sld [smem:$0x3FC8];
	(tm) =	ssettm $0x1  }
0x91: {  	s18 =	sld [smem:$0x3FFB];
	_ =	sdelay $0x3  }
0x92: {  	_ =	strace s18  }
0x93: {  	s3 =	sld [smem:$0x3FFC];
	_ =	sdelay $0x3  }
0x94: {  	_ =	strace s3  }
0x95: {  	s3 =	sld [smem:$0x3FFD];
	_ =	sdelay $0x3  }
0x96: {  	_ =	strace s3  }
0x97: {  	_ =	strace $0x8FFFFFFF  }
0x98: {  	s19 =	sld [smem:$0x3FDB];
	_ =	sdelay $0x1  }
0x99: {  	s4 =	simm.s32 $_scs_section_size  }
0x9a: {  	s5 =	simm.s32 $_size__tile_overlayer_lowered;
	s6 =	simm.s32 $_tile_overlayer_lowered  }
0x9b: {  	s22 =	simm.s32 $0x1BFF;
	s21 =	sshll.u32 s6, $0x1;
	s3 =	sadd.s32 s4, s19  }
0x9c: {  	s7 =	simm.s32 $0x0;
	s20 =	sshll.u32 s5, $0x1;
	s5 =	sadd.s32 s21, s3  }
0x9d: {  	[timem:s7], [sflag:s22] =	dma.local [hbm:s5], s20  }
0x9e: {  	_ =	swait.ge [sflag:s22], s20  }
0x9f: {  	s4 =	ssub.s32 $0x0, s20;
	[sflag:s22] =	ssyncset.done $0x0  }
0xa0: {  	[sflag:s22] =	ssyncadd.s32 s4;
	_ =	sdelay $0x1  }
0xa1: {  	s23 =	simm.s32 $0x1B8B  }
0xa2: {  	_ =	swait.ge [sflag:s23], $0x1  }
0xa3: {  	[sflag:s23] =	ssyncset.done $0x0  }
0xa4: {  	s25 =	simm.s32 $0x1B8E;
	s24 =	sld [smem:$0x3FFE];
	[sflag:s23] =	ssyncadd.s32 $0xFFFFFFFF  }
0xa5: {  	s26 =	simm.s32 $execute0_lowered;
	[smem:$0x3FD2] =	sst s25  }
0xa6: {  	s5 =	sshll.u32 s26, $0x1;
	_ =	strace $0x80000046;
	[dreg:$0x1] =	wrdreg $0xFFFFFFFF  }
0xa7: {  	s28 =	simm.s32 $_size_execute0_lowered;
	s3 =	sadd.s32 s3, s5;
	[dreg:$0x0] =	wrdreg $0x0  }
0xa8: {  	s5 =	sshll.u32 s28, $0x1;
	[dreg:$0x2] =	wrdreg s3  }
0xa9: {  	[dreg:$0x3] =	wrdreg s5  }
0xaa: {  	[dreg:$0x4] =	wrdreg $0xC0  }
0xab: {  	_ =	task [dreg:s7], $0x5FFFF  }
0xac: {  	[dreg:$0x1] =	wrdreg $0xFFFFFFFF  }
0xad: {  	[dreg:$0x0] =	wrdreg $0x60  }
0xae: {  	[dreg:$0x2] =	wrdreg s24  }
0xaf: {  	[dreg:$0x3] =	wrdreg s2  }
0xb0: {  	[dreg:$0x4] =	wrdreg $0x9  }
0xb1: {  	_ =	task.clear_ibuf [dreg:s7], $0x5FFFF;
	_ =	strace $0x90000046  }
0xb2: {  	s29 =	simm.s32 $0x9;
	_ =	strace $0x80000048  }
0xb3: {  	_ =	swait.ge [sflag:s29], $0x1  }
0xb4: {  	[sflag:s29] =	ssyncadd.s32 $0xFFFFFFFF  }
0xb5: {  	_ =	strace $0x90000048  }
0xb6: {  	_ =	sfence  }
0xb7: {  	s30 =	sld [smem:$0x0];
	_ =	sdelay $0x2  }
0xb8: {  	s31 =	sshll.u32 s1, $0xD;
	s1 =	sshrl.u32 s1, $0x2  }
0xb9: {  	s3 =	sand.u32 $0x4000, s31;
	s1 =	sadd.s32 s1, s30  }
0xba: {  	s0 =	sor.u32 s3, s0;
	s1 =	sshll.u32 s1, $0x11  }
0xbb: {  	s0 =	sor.u32 s1, s0  }
0xbc: {  	s0 =	sadd.s32 $0x8F2B, s0  }
0xbd: {  	[sflag:s0] =	ssyncadd.remote.s32 $0x1  }
0xbe: {  	_ =	sfence.sel $0xFFFF  }
0xbf: {  	[dreg:$0x0] =	wrdreg $0xFFFFFFFF;
	(pc) =	sbr.abs _section_cstart, $3  }
0xc0: {  	[dreg:$0x1] =	wrdreg $0xFFFFFFFF  }
0xc1: {  	_ =	task.clear_ibuf [dreg:s7], $0x2FFFF;
	_ =	strace $0x9FFFFFFF  }
0xc2: {  	(tm) =	ssettm $0x7FFFFFFF  }
0xc3: {  	_ =	shalt  }
tec
execute0_lowered:
.L_overlay_start_1:
0x0: {  	(tag) =	ssettag $0x1  }
0x1: {  	v0 =	vimm.s32 $0xEFCDAB89;
	s3 =	rddreg [dreg:$0x0];
	v1 =	vimm.s32 $0x67452301;
	v63 =	vimm.s32 $0xDCFE98BA  }
0x2: {  	s6 =	rddreg [dreg:$0x1];
	v3 =	vimm.s32 $0x54761032;
	v4 =	vimm.s32 $0xBA98FEDC;
	v5 =	vimm.s32 $0x32107654  }
0x3: {  	s0 =	rddreg [dreg:$0x2];
	s1 =	simm.s32 $0x0;
	s2 =	srdreg.scid;
	v6 =	vimm.s32 $0xFEDCBA98;
	v7 =	vimm.s32 $0x76543210;
	v0 =	vunpack.c.l.s4.s8 v0  }
0x4: {  	s11 =	simm.s32 $0x1;
	s12 =	simm.s32 $0x18700;
	s13 =	simm.s32 $0x18B80;
	v1 =	vunpack.c.l.s4.s8 v1;
	v3 =	vunpack.c.l.s4.s8 v3;
	v4 =	vunpack.c.l.s4.s8 v4  }
0x5: {  	s14 =	simm.s32 $0x0;
	[smem:$0x7FF] =	sst s1;
	s4 =	sand.u32 $0x1, s2;
	v5 =	vunpack.c.l.s4.s8 v5;
	v6 =	vunpack.c.l.s4.s8 v6;
	v7 =	vunpack.c.l.s4.s8 v7  }
0x6: {  	s2 =	sadd.s32 $0x600, s3;
	_ =	strace $0x80000047;
	s5 =	sshll.u32 s4, $0x6;
	v2 =	vunpack.c.0.s8.s32 v0;
	v1 =	vunpack.c.0.s8.s32 v1;
	v0 =	vunpack.c.l.s4.s8 v63  }
0x7: {  	s30 =	ssub.s32 $0x2, s4;
	s4 =	sshll.u32 s4, $0x2;
	s7 =	sadd.s32 s5, s3;
	v3 =	vunpack.c.0.s8.s32 v3;
	v4 =	vunpack.c.0.s8.s32 v4;
	v5 =	vunpack.c.0.s8.s32 v5  }
.Ltmp0:
0x8: {  	s3 =	stileid.u32;
	s8 =	sshrl.u32 s30, $0x1;
	v6 =	vunpack.c.0.s8.s32 v6;
	v8 =	vunpack.c.0.s8.s32 v0;
	v34 =	vcombine.low v1, v2;
	(pc) =	sbr.rel .LBB2_1-.Ltmp0, $4  }
0x9: {  	v7 =	vunpack.c.0.s8.s32 v7;
	s9 =	sshll.u32 s3, $0x3;
	s8 =	ssub.s32 s30, s8;
	s31 =	sshll.u32 s3, $0x7;
	v36 =	vcombine.low v5, v4  }
0xa: {  	s5 =	smul.u32 $0xC3800, s3;
	s10 =	sand.u32 $0xE, s3;
	s4 =	sor.u32 s4, s9;
	v4 =	vand.u32 $0xF, v6;
	v35 =	vcombine.low v3, v8;
	[tilespmem:$0x1FFD0] =	vst v34  }
0xb: {  	v33 =	vlaneseq.u32;
	s7 =	sadd.s32 s31, s7;
	s6 =	sadd.s32 s6, s10;
	s8 =	smax.u32 s8, $0x1;
	v4 =	vcombine.low v4, v7;
	[tilespmem:$0x1FFF0] =	vst v36  }
0xc: {  	s9 =	simm.s32 $0x80;
	s10 =	simm.s32 $0x400;
	s7 =	sadd.s32 $0x187600, s7;
	v7 =	vand.u32 $0xF, v34;
	v9 =	vand.u32 $0xF, v36;
	v8 =	vand.u32 $0xF, v35;
	[tilespmem:$0x1FFE0] =	vst v35  }
.LBB2_7:
0xd: {  	s14 =	sadd.s32 $0x1, s14  }
0xe: {  	p0 =	sne.s32 s14, s8  }
.Ltmp1:
0xf: {  	_ = 	snop;
	(pc) =	sbr.rel @!p0 .LBB2_8-.Ltmp1, $4  }
0x10: {  	[hbm4b:s7+s1] =	stream.linear.scatter [tilespmem:s13], [sflag:$0x1], $0x200, $0x38;
	[tilespmem:$0x18D80] =	vst v63  }
0x11: {  	_ =	swait.ge [sflag:s11], $0x200  }
0x12: {  	[sflag:s11] =	ssyncset.done $0x0  }
0x13: {  	[sflag:s11] =	ssyncadd.s32 $0xFFFFFE00  }
.LBB2_1:
.Ltmp2:
0x14: {  	(pc) =	sbr.rel .LBB2_2-.Ltmp2, $2  }
0x15: {  	_ =	sdelay $0x2  }
0x16: {  	s15 =	simm.s32 $0x0  }
.LBB2_6:
0x17: {  	v0 =	vld [tilespmem:$0x18780]  }
0x18: {  	v3 =	vld [tilespmem:$0x18900]  }
0x19: {  	v1 =	vld [tilespmem:$0x18800]  }
0x1a: {  	v2 =	vld [tilespmem:$0x18880];
	_ =	sdelay $0x2  }
0x1b: {  	v0 =	vmul.f32 $1.442695020e+00, v0;
	v53 =	vmul.f32 $1.442695020e+00, v3;
	v3 =	vadd.f32 v11, v12;
	v11 =	vld [tilespmem:$0x1FFC0]  }
0x1c: {  	v1 =	vmul.f32 $1.442695020e+00, v1  }
0x1d: {  	v52 =	vmul.f32 $1.442695020e+00, v2;
	(erf) = vpow2.f32 v0  }
0x1e: {  	(erf) = vpow2.f32 v1  }
0x1f: {  	v54 =	vadd.f32 v13, v14;
	v55 =	vmul.f32 $1.442695020e+00, v15;
	(erf) = vpow2.f32 v52  }
0x20: {  	(erf) = vpow2.f32 v53;
	v56 =	vmul.f32 $1.442695020e+00, v11  }
0x21: {  	v57 =	vadd.f32 v3, v54;
	(erf) = vpow2.f32 v55  }
0x22: {  	(erf) = vpow2.f32 v56  }
0x23: {  	v58 =	vperm.xlane v57, v34;
	_ =	sdelay $0x1  }
0x24: {  	v0 =	vadd.f32 v58, v57  }
0x25: {  	v59 =	vpop (erf)  }
0x26: {  	v5 =	vperm.xlane v0, v35;
	v60 =	vpop (erf)  }
0x27: {  	v3 =	vpop (erf)  }
0x28: {  	v6 =	vpop (erf)  }
0x29: {  	v0 =	vadd.f32 v5, v0;
	v10 =	vpop (erf)  }
0x2a: {  	v5 =	vpop (erf)  }
0x2b: {  	v61 =	vperm.xlane v0, v36;
	v1 =	vadd.f32 v60, v59;
	(erf) = vrcp.f32 v5;
	_ =	sdelay $0x1  }
0x2c: {  	v0 =	vadd.f32 v61, v0;
	v1 =	vadd.f32 v3, v1;
	_ =	sdelay $0x1  }
0x2d: {  	v2 =	vperm.xlane v0, v4;
	v1 =	vadd.f32 v6, v1;
	_ =	sdelay $0x1  }
0x2e: {  	v0 =	vadd.f32 v2, v0;
	v1 =	vadd.f32 v1, v10;
	_ =	sdelay $0x1  }
0x2f: {  	s16 =	sshll.u32 s15, $0x7;
	s15 =	sadd.s32 $0x1, s15;
	v0 =	vsub.f32 v0, v1  }
0x30: {  	p0 =	sne.s32 s15, $0x4;
	v62 =	vpop (erf)  }
.Ltmp3:
0x31: {  	v63 =	vimm.f32 $1.000000000e+00;
	vm0 =	vge.f32 v11, v15;
	v0 =	vmul.f32 v0, v62;
	(pc) =	sbr.rel @!p0 .LBB2_7-.Ltmp3, $4  }
0x32: {  	v1 =	vsel vm0, $0x0, v63  }
0x33: {  	v0 =	vsub.f32 v0, v1  }
0x34: {  	s16 =	sand.u32 $0x3FFFFF80, s16  }
0x35: {  	[tilespmem:s16+$0x18B80] =	vst v0  }
.LBB2_2:
0x36: {  	s17 =	sadd.s32 s4, s15  }
0x37: {  	s16 =	sshll.u32 s17, $0x7  }
0x38: {  	s16 =	sand.u32 $0x380, s16  }
0x39: {  	s16 =	sor.u32 s5, s16  }
0x3a: {  	s16 =	sshrl.u32 s16, $0x3  }
0x3b: {  	s18 =	sadd.s32 s2, s16;
	s16 =	simm.s32 $0x0  }
0x3c: {  	[tilespmem:s16], [sflag:$0x1] =	stream.strided.gather [hbm4b:s18+s9], $0x18700, s10, s9, $0x38;
	[tilespmem:$0x18D80] =	vst v63  }
0x3d: {  	_ =	swait.ge [sflag:s11], $0x18700  }
0x3e: {  	[sflag:s11] =	ssyncset.done $0x0  }
0x3f: {  	[sflag:s11] =	ssyncadd.s32 $0xFFFE7900  }
0x40: {  	[tilespmem:s12], [sflag:$0x1] =	stream.linear.gather [hbm4b:s6+s16], $0x10, $0x38;
	[tilespmem:$0x18D80] =	vst v63  }
0x41: {  	_ =	swait.ge [sflag:s11], $0x10  }
0x42: {  	[sflag:s11] =	ssyncset.done $0x0  }
0x43: {  	[sflag:s11] =	ssyncadd.s32 $0xFFFFFFF0  }
0x44: {  	v5 =	vld [tilespmem:$0x18700];
	_ =	sdelay $0x1  }
0x45: {  	s17 =	sand.u32 $0xF, s17  }
0x46: {  	v6 =	vmov s17  }
0x47: {  	vm0 =	veq.s32 v6, v33  }
0x48: {  	v5 =	vnsel vm0, $0x0, v5  }
0x49: {  	v6 =	vperm.xlane v5, v34;
	_ =	sdelay $0x1  }
0x4a: {  	v5 =	vadd.s32 v6, v5  }
0x4b: {  	v6 =	vperm.xlane v5, v35;
	_ =	sdelay $0x1  }
0x4c: {  	v5 =	vadd.s32 v6, v5  }
0x4d: {  	v6 =	vperm.xlane v5, v36;
	_ =	sdelay $0x1  }
0x4e: {  	v5 =	vadd.s32 v6, v5  }
0x4f: {  	v6 =	vperm.xlane v5, v4;
	_ =	sdelay $0x1  }
0x50: {  	v5 =	vadd.s32 v6, v5  }
0x51: {  	(v2sf) =	vpush v5, $0x0;
	_ =	sdelay $0xe  }
0x52: {  	s31 =	spop (v2sf)  }
0x53: {  	s17 =	sand.u32 $0xFFFFFFF0, s31  }
0x54: {  	v6 =	vld [tilespmem:s17+$0x0]  }
0x55: {  	v0 =	vimm.f32 $-3.000000010e+38  }
0x56: {  	[tilespmem:$0x18780] =	vst v0  }
.Ltmp4:
0x57: {  	v5 =	vbroadcast v5, $0x0;
	[tilespmem:$0x18800] =	vst v0;
	(pc) =	sbr.rel .LBB2_3-.Ltmp4, $4  }
0x58: {  	[tilespmem:$0x18880] =	vst v0  }
0x59: {  	[tilespmem:$0x18900] =	vst v0;
	v1 =	vperm.xlane v6, v5  }
0x5a: {  	v11 =	vimm.f32 $0.0e+00;
	[tilespmem:$0x18980] =	vst v0  }
0x5b: {  	v12 =	vimm.f32 $0.0e+00;
	v13 =	vimm.f32 $0.0e+00;
	v14 =	vimm.f32 $0.0e+00;
	s17 =	simm.s32 $0xC0;
	[tilespmem:$0x1FFC0] =	vst v1  }
.LBB2_5:
0x5c: {  	_ = 	snop  }
0x5d: {  	v0 =	vadd.f32 v0, v14  }
0x5e: {  	v1 =	vadd.f32 v1, v13;
	v2 =	vadd.f32 v2, v12  }
0x5f: {  	v3 =	vadd.f32 v3, v11;
	v0 =	vadd.f32 v16, v0  }
0x60: {  	v1 =	vadd.f32 v17, v1;
	v2 =	vadd.f32 v18, v2  }
0x61: {  	v3 =	vadd.f32 v19, v3;
	v0 =	vadd.f32 v20, v0  }
0x62: {  	v1 =	vadd.f32 v21, v1;
	v2 =	vadd.f32 v22, v2  }
0x63: {  	s16 =	sadd.s32 $0x190, s16;
	v3 =	vadd.f32 v23, v3;
	v0 =	vadd.f32 v24, v0  }
0x64: {  	p0 =	sne.s32 s16, $0x186A0;
	v1 =	vadd.f32 v25, v1;
	v2 =	vadd.f32 v26, v2  }
.Ltmp5:
0x65: {  	v3 =	vadd.f32 v27, v3;
	v0 =	vadd.f32 v28, v0;
	(pc) =	sbr.rel @!p0 .LBB2_6-.Ltmp5, $4  }
0x66: {  	v1 =	vadd.f32 v29, v1;
	v2 =	vadd.f32 v30, v2  }
0x67: {  	v3 =	vadd.f32 v31, v3;
	v0 =	vadd.f32 v32, v0  }
0x68: {  	v13 =	vadd.f32 v37, v1;
	v12 =	vadd.f32 v38, v2  }
0x69: {  	s17 =	sadd.s32 $0x190, s17;
	v11 =	vadd.f32 v39, v3;
	v14 =	vadd.f32 v40, v0  }
.LBB2_3:
0x6a: {  	v5 =	vld [tilespmem:s17+$0xFFFFFF40]  }
0x6b: {  	v6 =	vld [tilespmem:s17+$0xFFFFFF50]  }
0x6c: {  	v63 =	vld [tilespmem:s17+$0xFFFFFF60]  }
0x6d: {  	v62 =	vld [tilespmem:s17+$0xFFFFFF70]  }
0x6e: {  	v61 =	vld [tilespmem:s17+$0xFFFFFF80]  }
0x6f: {  	v60 =	vld [tilespmem:s17+$0xFFFFFF90]  }
0x70: {  	v41 =	vld [tilespmem:s17+$0xFFFFFFA0]  }
0x71: {  	v59 =	vld [tilespmem:s17+$0xFFFFFFB0]  }
0x72: {  	v57 =	vld [tilespmem:s17+$0xFFFFFFD0]  }
0x73: {  	v56 =	vld [tilespmem:s17+$0xFFFFFFE0]  }
0x74: {  	v55 =	vld [tilespmem:s17+$0xFFFFFFF0]  }
0x75: {  	v53 =	vld [tilespmem:s17+$0x0]  }
0x76: {  	v51 =	vld [tilespmem:s17+$0x10]  }
0x77: {  	v48 =	vld [tilespmem:s17+$0x20]  }
0x78: {  	v46 =	vld [tilespmem:s17+$0x30]  }
0x79: {  	s18 =	sand.u32 $0x1FFF0, s16;
	v42 =	vld [tilespmem:s17+$0x50]  }
0x7a: {  	v58 =	vld [tilespmem:s18+$0x80]  }
0x7b: {  	v43 =	vld [tilespmem:s17+$0x60];
	v10 =	vmax.f32 v5, $-3.000000010e+38  }
0x7c: {  	v45 =	vld [tilespmem:s17+$0x70];
	v15 =	vmax.f32 v6, $-3.000000010e+38;
	v16 =	vmax.f32 v10, v63  }
0x7d: {  	v47 =	vld [tilespmem:s17+$0x80];
	v17 =	vmul.f32 $1.442695020e+00, v5;
	v15 =	vmax.f32 v15, v62;
	v16 =	vmax.f32 v16, v61  }
0x7e: {  	v44 =	vld [tilespmem:s18+$0x100];
	v18 =	vmul.f32 $1.442695020e+00, v6;
	v15 =	vmax.f32 v15, v60;
	v16 =	vmax.f32 v16, v41  }
0x7f: {  	v49 =	vld [tilespmem:s17+$0x90];
	(erf) = vpow2.f32 v17;
	v15 =	vmax.f32 v15, v59;
	v16 =	vmax.f32 v16, v58  }
0x80: {  	v50 =	vld [tilespmem:s17+$0xA0];
	v17 =	vmul.f32 $1.442695020e+00, v63;
	v15 =	vmax.f32 v15, v57;
	v16 =	vmax.f32 v16, v56  }
0x81: {  	v52 =	vld [tilespmem:s17+$0xB0];
	(erf) = vpow2.f32 v18;
	v15 =	vmax.f32 v15, v55;
	v16 =	vmax.f32 v16, v53  }
0x82: {  	v54 =	vld [tilespmem:s18+$0x180];
	v18 =	vmul.f32 $1.442695020e+00, v62;
	v15 =	vmax.f32 v15, v51;
	v16 =	vmax.f32 v16, v48  }
0x83: {  	(erf) = vpow2.f32 v17;
	v15 =	vmax.f32 v15, v46;
	v16 =	vmax.f32 v16, v44  }
0x84: {  	v17 =	vmul.f32 $1.442695020e+00, v61;
	v15 =	vmax.f32 v15, v42;
	v16 =	vmax.f32 v16, v43  }
0x85: {  	(erf) = vpow2.f32 v18;
	v15 =	vmax.f32 v15, v45;
	v16 =	vmax.f32 v16, v47  }
0x86: {  	v18 =	vmul.f32 $1.442695020e+00, v60;
	v15 =	vmax.f32 v15, v49;
	v16 =	vmax.f32 v16, v50  }
0x87: {  	(erf) = vpow2.f32 v17;
	v15 =	vmax.f32 v15, v52;
	v16 =	vmax.f32 v16, v54  }
0x88: {  	v17 =	vmul.f32 $1.442695020e+00, v41;
	(erf) = vpow2.f32 v18;
	v15 =	vmax.f32 v16, v15  }
0x89: {  	v16 =	vmul.f32 $1.442695020e+00, v59;
	v18 =	vperm.xlane v15, v34  }
0x8a: {  	(erf) = vpow2.f32 v17  }
0x8b: {  	(erf) = vpow2.f32 v16;
	v16 =	vmul.f32 $1.442695020e+00, v58;
	v15 =	vmax.f32 v15, v18  }
0x8c: {  	v17 =	vmul.f32 $1.442695020e+00, v57;
	v18 =	vperm.xlane v15, v35  }
0x8d: {  	(erf) = vpow2.f32 v16  }
0x8e: {  	(erf) = vpow2.f32 v17;
	v15 =	vmax.f32 v15, v18  }
0x8f: {  	v17 =	vmul.f32 $1.442695020e+00, v56;
	v19 =	vperm.xlane v15, v36  }
0x90: {  	v20 =	vmul.f32 $1.442695020e+00, v53;
	v18 =	vmul.f32 $1.442695020e+00, v55  }
0x91: {  	v22 =	vmul.f32 $1.442695020e+00, v51;
	v0 =	vpop (erf);
	(erf) = vpow2.f32 v17;
	v21 =	vmax.f32 v15, v19;
	v15 =	vld [tilespmem:$0x18980]  }
0x92: {  	v1 =	vpop (erf);
	(erf) = vpow2.f32 v18;
	v23 =	vperm.xlane v21, v4  }
0x93: {  	v2 =	vpop (erf);
	(erf) = vpow2.f32 v20  }
0x94: {  	v3 =	vpop (erf);
	(erf) = vpow2.f32 v22;
	v22 =	vmax.f32 v21, v23  }
0x95: {  	(v2sf) =	vpush v22, $0x0  }
0x96: {  	v24 =	vmul.f32 $1.442695020e+00, v48;
	(v2sf) =	vpush v15, $0x0  }
0x97: {  	v25 =	vmul.f32 $1.442695020e+00, v46;
	v16 =	vpop (erf)  }
0x98: {  	v17 =	vpop (erf);
	(erf) = vpow2.f32 v24;
	v24 =	vmul.f32 $1.442695020e+00, v44  }
0x99: {  	v18 =	vpop (erf);
	(erf) = vpow2.f32 v25;
	v25 =	vmul.f32 $1.442695020e+00, v42  }
0x9a: {  	v26 =	vmul.f32 $1.442695020e+00, v43;
	v19 =	vpop (erf);
	(erf) = vpow2.f32 v24  }
0x9b: {  	v27 =	vmul.f32 $1.442695020e+00, v45;
	v20 =	vpop (erf);
	(erf) = vpow2.f32 v25  }
0x9c: {  	v28 =	vmul.f32 $1.442695020e+00, v47;
	v21 =	vpop (erf);
	(erf) = vpow2.f32 v26  }
0x9d: {  	v29 =	vmul.f32 $1.442695020e+00, v49;
	v22 =	vpop (erf);
	(erf) = vpow2.f32 v27  }
0x9e: {  	v30 =	vmul.f32 $1.442695020e+00, v50;
	v23 =	vpop (erf);
	(erf) = vpow2.f32 v28  }
0x9f: {  	v31 =	vmul.f32 $1.442695020e+00, v52;
	v24 =	vpop (erf);
	(erf) = vpow2.f32 v29  }
0xa0: {  	v32 =	vmul.f32 $1.442695020e+00, v54;
	v25 =	vpop (erf);
	(erf) = vpow2.f32 v30  }
0xa1: {  	v26 =	vpop (erf);
	(erf) = vpow2.f32 v31  }
0xa2: {  	v27 =	vpop (erf);
	(erf) = vpow2.f32 v32  }
0xa3: {  	v28 =	vpop (erf)  }
0xa4: {  	v29 =	vpop (erf);
	s31 =	spop (v2sf)  }
0xa5: {  	v30 =	vpop (erf);
	s19 =	spop (v2sf)  }
0xa6: {  	v31 =	vpop (erf);
	p0 =	sge.f32 s31, s19  }
.Ltmp6:
0xa7: {  	v32 =	vpop (erf);
	(pc) =	sbr.rel @!p0 .LBB2_5-.Ltmp6, $4  }
0xa8: {  	v37 =	vpop (erf)  }
0xa9: {  	v38 =	vpop (erf)  }
0xaa: {  	v39 =	vpop (erf)  }
0xab: {  	v40 =	vpop (erf)  }
0xac: {  	[tilespmem:$0x1FF90] =	vst v1;
	v1 =	vmax.f32 v10, v6  }
0xad: {  	[tilespmem:$0x1FF80] =	vst v2;
	v2 =	vmax.f32 v1, v63  }
0xae: {  	[tilespmem:$0x1FFB0] =	vst v3;
	v3 =	vmax.f32 v2, v62  }
0xaf: {  	[tilespmem:$0x1FFA0] =	vst v0;
	v0 =	vmax.f32 v3, v61  }
0xb0: {  	[tilespmem:$0x1FF70] =	vst v16;
	v16 =	vmax.f32 v0, v60  }
0xb1: {  	[tilespmem:$0x1FF60] =	vst v17;
	v17 =	vmax.f32 v16, v41  }
0xb2: {  	[tilespmem:$0x1FF50] =	vst v18;
	v18 =	vmax.f32 v17, v59  }
0xb3: {  	[tilespmem:$0x1FF40] =	vst v19;
	v19 =	vmax.f32 v18, v58  }
0xb4: {  	[tilespmem:$0x1FE60] =	vst v20;
	v20 =	vmax.f32 v19, v57  }
0xb5: {  	[tilespmem:$0x1FE70] =	vst v21;
	v21 =	vmax.f32 v20, v56  }
0xb6: {  	[tilespmem:$0x1FE80] =	vst v22;
	v22 =	vmax.f32 v21, v55  }
0xb7: {  	[tilespmem:$0x1FE90] =	vst v23;
	v23 =	vmax.f32 v22, v53  }
0xb8: {  	[tilespmem:$0x1FEA0] =	vst v24;
	v24 =	vmax.f32 v23, v51  }
0xb9: {  	[tilespmem:$0x1FEB0] =	vst v25;
	v25 =	vmax.f32 v24, v48  }
0xba: {  	[tilespmem:$0x1FEC0] =	vst v26;
	v26 =	vmax.f32 v25, v46  }
0xbb: {  	[tilespmem:$0x1FED0] =	vst v27;
	v27 =	vmax.f32 v26, v44  }
0xbc: {  	[tilespmem:$0x1FEE0] =	vst v28;
	v28 =	vmax.f32 v27, v42  }
0xbd: {  	[tilespmem:$0x1FEF0] =	vst v29;
	v29 =	vmax.f32 v28, v43  }
0xbe: {  	[tilespmem:$0x1FF00] =	vst v30;
	v30 =	vmax.f32 v29, v45  }
0xbf: {  	[tilespmem:$0x1FF10] =	vst v31;
	v31 =	vmax.f32 v30, v47  }
0xc0: {  	[tilespmem:$0x1FF20] =	vst v32;
	v32 =	vmax.f32 v31, v49  }
0xc1: {  	v33 =	vmax.f32 v32, v50  }
0xc2: {  	v34 =	vmax.f32 v33, v52  }
0xc3: {  	v35 =	vmax.f32 v34, v54  }
0xc4: {  	v36 =	vperm.xlane v35, v7;
	_ =	sdelay $0x1  }
0xc5: {  	v36 =	vmax.f32 v35, v36  }
0xc6: {  	[tilespmem:$0x1FE40] =	vst v37;
	v37 =	vperm.xlane v36, v8;
	_ =	sdelay $0x1  }
0xc7: {  	v5 =	vmin.f32 v5, $-3.000000010e+38;
	v36 =	vmax.f32 v36, v37  }
0xc8: {  	v6 =	vmin.f32 v10, v6;
	v5 =	vmax.f32 v5, $-3.000000010e+38;
	v10 =	vperm.xlane v36, v9  }
0xc9: {  	v1 =	vmin.f32 v1, v63;
	v37 =	vmax.f32 v5, v6  }
0xca: {  	v2 =	vmin.f32 v2, v62;
	v63 =	vmax.f32 v37, v1;
	v10 =	vmax.f32 v36, v10  }
0xcb: {  	v3 =	vmin.f32 v3, v61;
	v36 =	vmax.f32 v63, v2;
	v61 =	vperm.xlane v10, v4  }
0xcc: {  	[tilespmem:$0x1FF30] =	vst v39;
	v39 =	vlaneseq.u32;
	v0 =	vmin.f32 v0, v60;
	v62 =	vmax.f32 v36, v3  }
0xcd: {  	v16 =	vmin.f32 v16, v41;
	v60 =	vmax.f32 v62, v0;
	v41 =	vmax.f32 v10, v61  }
0xce: {  	v17 =	vmin.f32 v17, v59;
	v10 =	vmax.f32 v60, v16;
	vm0 =	veq.f32 v35, v41  }
0xcf: {  	v18 =	vmin.f32 v18, v58;
	v59 =	vmax.f32 v10, v17;
	v58 =	vnsel vm0, $0x10, v39  }
0xd0: {  	v19 =	vmin.f32 v19, v57;
	v61 =	vmax.f32 v59, v18;
	v57 =	vperm.xlane v58, v7  }
0xd1: {  	[tilespmem:$0x1FE50] =	vst v38;
	v20 =	vmin.f32 v20, v56;
	v38 =	vmax.f32 v61, v19  }
0xd2: {  	v21 =	vmin.f32 v21, v55;
	v56 =	vmax.f32 v38, v20;
	vm0 =	vlt.s32 v58, v57  }
0xd3: {  	v22 =	vmin.f32 v22, v53;
	v55 =	vmax.f32 v56, v21;
	v53 =	vsel vm0, v58, v57  }
0xd4: {  	v23 =	vmin.f32 v23, v51;
	v57 =	vmax.f32 v55, v22;
	v51 =	vperm.xlane v53, v8  }
0xd5: {  	v24 =	vmin.f32 v24, v48;
	v58 =	vmax.f32 v57, v23  }
0xd6: {  	v25 =	vmin.f32 v25, v46;
	v48 =	vmax.f32 v58, v24;
	vm0 =	vlt.s32 v53, v51  }
0xd7: {  	v26 =	vmin.f32 v26, v44;
	v46 =	vmax.f32 v48, v25;
	v44 =	vsel vm0, v53, v51  }
0xd8: {  	v27 =	vmin.f32 v27, v42;
	v51 =	vmax.f32 v46, v26;
	v42 =	vperm.xlane v44, v9  }
0xd9: {  	v28 =	vmin.f32 v28, v43;
	v53 =	vmax.f32 v51, v27  }
0xda: {  	v29 =	vmin.f32 v29, v45;
	v43 =	vmax.f32 v53, v28;
	vm0 =	vlt.s32 v44, v42  }
0xdb: {  	v30 =	vmin.f32 v30, v47;
	v45 =	vmax.f32 v43, v29;
	v42 =	vsel vm0, v44, v42  }
0xdc: {  	v31 =	vmin.f32 v31, v49;
	v44 =	vmax.f32 v45, v30;
	v47 =	vperm.xlane v42, v4  }
0xdd: {  	v32 =	vmin.f32 v32, v50;
	v49 =	vmax.f32 v44, v31  }
0xde: {  	v33 =	vmin.f32 v33, v52;
	v50 =	vmax.f32 v49, v32;
	vm0 =	vlt.s32 v42, v47  }
0xdf: {  	v34 =	vmin.f32 v34, v54;
	v52 =	vmax.f32 v50, v33;
	v42 =	vsel vm0, v42, v47  }
0xe0: {  	v47 =	vmax.f32 v52, v34;
	vm0 =	veq.s32 v42, v39  }
0xe1: {  	v35 =	vsel vm0, v47, v35  }
0xe2: {  	v54 =	vperm.xlane v35, v7;
	_ =	sdelay $0x1  }
0xe3: {  	v42 =	vmax.f32 v35, v54  }
0xe4: {  	v54 =	vperm.xlane v42, v8;
	_ =	sdelay $0x1  }
0xe5: {  	v6 =	vmin.f32 v5, v6;
	v42 =	vmax.f32 v42, v54  }
0xe6: {  	v5 =	vmax.f32 v5, v6;
	v1 =	vmin.f32 v37, v1;
	v6 =	vperm.xlane v42, v9  }
0xe7: {  	v37 =	vmax.f32 v5, v1;
	v2 =	vmin.f32 v63, v2  }
0xe8: {  	v3 =	vmin.f32 v36, v3;
	v54 =	vmax.f32 v37, v2;
	v6 =	vmax.f32 v42, v6  }
0xe9: {  	v0 =	vmin.f32 v62, v0;
	v36 =	vmax.f32 v54, v3;
	v42 =	vperm.xlane v6, v4  }
0xea: {  	v16 =	vmin.f32 v60, v16;
	v62 =	vmax.f32 v36, v0  }
0xeb: {  	v10 =	vmin.f32 v10, v17;
	v60 =	vmax.f32 v62, v16;
	v42 =	vmax.f32 v6, v42  }
0xec: {  	v17 =	vmin.f32 v59, v18;
	v6 =	vmax.f32 v60, v10;
	vm1 =	veq.f32 v35, v42  }
0xed: {  	v19 =	vmin.f32 v61, v19;
	v18 =	vmax.f32 v6, v17;
	v59 =	vnsel vm1, $0x10, v39  }
0xee: {  	v20 =	vmin.f32 v38, v20;
	v61 =	vmax.f32 v18, v19;
	v38 =	vperm.xlane v59, v7  }
0xef: {  	v21 =	vmin.f32 v56, v21;
	v63 =	vmax.f32 v61, v20  }
0xf0: {  	v22 =	vmin.f32 v55, v22;
	v56 =	vmax.f32 v63, v21;
	vm1 =	vlt.s32 v59, v38  }
0xf1: {  	v23 =	vmin.f32 v57, v23;
	v55 =	vmax.f32 v56, v22;
	v38 =	vsel vm1, v59, v38  }
0xf2: {  	v24 =	vmin.f32 v58, v24;
	v57 =	vmax.f32 v55, v23;
	v58 =	vperm.xlane v38, v8  }
0xf3: {  	v25 =	vmin.f32 v48, v25;
	v59 =	vmax.f32 v57, v24  }
0xf4: {  	v26 =	vmin.f32 v46, v26;
	v48 =	vmax.f32 v59, v25;
	vm1 =	vlt.s32 v38, v58  }
0xf5: {  	v27 =	vmin.f32 v51, v27;
	v46 =	vmax.f32 v48, v26;
	v38 =	vsel vm1, v38, v58  }
0xf6: {  	v28 =	vmin.f32 v53, v28;
	v51 =	vmax.f32 v46, v27;
	v53 =	vperm.xlane v38, v9  }
0xf7: {  	v29 =	vmin.f32 v43, v29;
	v58 =	vmax.f32 v51, v28  }
0xf8: {  	v30 =	vmin.f32 v45, v30;
	v43 =	vmax.f32 v58, v29;
	vm1 =	vlt.s32 v38, v53  }
0xf9: {  	v31 =	vmin.f32 v44, v31;
	v45 =	vmax.f32 v43, v30;
	v38 =	vsel vm1, v38, v53  }
0xfa: {  	v32 =	vmin.f32 v49, v32;
	v44 =	vmax.f32 v45, v31;
	v49 =	vperm.xlane v38, v4  }
0xfb: {  	v33 =	vmin.f32 v50, v33;
	v53 =	vmax.f32 v44, v32  }
0xfc: {  	v34 =	vmin.f32 v52, v34;
	v50 =	vmax.f32 v53, v33;
	vm1 =	vlt.s32 v38, v49  }
0xfd: {  	v52 =	vmax.f32 v50, v34;
	v38 =	vsel vm1, v38, v49  }
0xfe: {  	v47 =	vsel vm0, v52, v47;
	vm1 =	veq.s32 v38, v39  }
0xff: {  	v35 =	vsel vm1, v47, v35  }
0x100: {  	v49 =	vperm.xlane v35, v7;
	_ =	sdelay $0x1  }
0x101: {  	v38 =	vmax.f32 v35, v49  }
0x102: {  	v49 =	vperm.xlane v38, v8;
	_ =	sdelay $0x1  }
0x103: {  	v1 =	vmin.f32 v5, v1;
	v38 =	vmax.f32 v38, v49  }
0x104: {  	v1 =	vmax.f32 v5, v1;
	v2 =	vmin.f32 v37, v2;
	v5 =	vperm.xlane v38, v9  }
0x105: {  	v37 =	vmax.f32 v1, v2;
	v3 =	vmin.f32 v54, v3  }
0x106: {  	v0 =	vmin.f32 v36, v0;
	v49 =	vmax.f32 v37, v3;
	v5 =	vmax.f32 v38, v5  }
0x107: {  	v16 =	vmin.f32 v62, v16;
	v36 =	vmax.f32 v49, v0;
	v38 =	vperm.xlane v5, v4  }
0x108: {  	v10 =	vmin.f32 v60, v10;
	v54 =	vmax.f32 v36, v16  }
0x109: {  	v6 =	vmin.f32 v6, v17;
	v60 =	vmax.f32 v54, v10;
	v5 =	vmax.f32 v5, v38  }
0x10a: {  	v18 =	vmin.f32 v18, v19;
	v17 =	vmax.f32 v60, v6;
	vm2 =	veq.f32 v35, v5  }
0x10b: {  	v20 =	vmin.f32 v61, v20;
	v19 =	vmax.f32 v17, v18;
	v38 =	vnsel vm2, $0x10, v39  }
0x10c: {  	v21 =	vmin.f32 v63, v21;
	v61 =	vmax.f32 v19, v20;
	v62 =	vperm.xlane v38, v7  }
0x10d: {  	v22 =	vmin.f32 v56, v22;
	v63 =	vmax.f32 v61, v21  }
0x10e: {  	v23 =	vmin.f32 v55, v23;
	v56 =	vmax.f32 v63, v22;
	vm2 =	vlt.s32 v38, v62  }
0x10f: {  	v24 =	vmin.f32 v57, v24;
	v55 =	vmax.f32 v56, v23;
	v38 =	vsel vm2, v38, v62  }
0x110: {  	v25 =	vmin.f32 v59, v25;
	v57 =	vmax.f32 v55, v24;
	v59 =	vperm.xlane v38, v8  }
0x111: {  	v26 =	vmin.f32 v48, v26;
	v62 =	vmax.f32 v57, v25  }
0x112: {  	v27 =	vmin.f32 v46, v27;
	v48 =	vmax.f32 v62, v26;
	vm2 =	vlt.s32 v38, v59  }
0x113: {  	v28 =	vmin.f32 v51, v28;
	v46 =	vmax.f32 v48, v27;
	v38 =	vsel vm2, v38, v59  }
0x114: {  	v29 =	vmin.f32 v58, v29;
	v51 =	vmax.f32 v46, v28;
	v58 =	vperm.xlane v38, v9  }
0x115: {  	v30 =	vmin.f32 v43, v30;
	v59 =	vmax.f32 v51, v29  }
0x116: {  	v31 =	vmin.f32 v45, v31;
	v43 =	vmax.f32 v59, v30;
	vm2 =	vlt.s32 v38, v58  }
0x117: {  	v32 =	vmin.f32 v44, v32;
	v45 =	vmax.f32 v43, v31;
	v38 =	vsel vm2, v38, v58  }
0x118: {  	v33 =	vmin.f32 v53, v33;
	v44 =	vmax.f32 v45, v32;
	v53 =	vperm.xlane v38, v4  }
0x119: {  	v34 =	vmin.f32 v50, v34;
	v58 =	vmax.f32 v44, v33  }
0x11a: {  	v50 =	vmax.f32 v58, v34;
	vm2 =	vlt.s32 v38, v53  }
0x11b: {  	v52 =	vsel vm0, v50, v52;
	v38 =	vsel vm2, v38, v53  }
0x11c: {  	v47 =	vsel vm1, v52, v47;
	vm2 =	veq.s32 v38, v39  }
0x11d: {  	v35 =	vsel vm2, v47, v35  }
0x11e: {  	v53 =	vperm.xlane v35, v7;
	_ =	sdelay $0x1  }
0x11f: {  	v38 =	vmax.f32 v35, v53  }
0x120: {  	v53 =	vperm.xlane v38, v8  }
0x121: {  	v2 =	vmin.f32 v1, v2  }
0x122: {  	v1 =	vmax.f32 v1, v2;
	v2 =	vmin.f32 v37, v3;
	v38 =	vmax.f32 v38, v53  }
0x123: {  	v1 =	vmax.f32 v1, v2;
	v0 =	vmin.f32 v49, v0;
	v3 =	vperm.xlane v38, v9  }
0x124: {  	v0 =	vmax.f32 v1, v0;
	v1 =	vmin.f32 v36, v16  }
0x125: {  	v0 =	vmax.f32 v0, v1;
	v1 =	vmin.f32 v54, v10;
	v2 =	vmax.f32 v38, v3  }
0x126: {  	v0 =	vmax.f32 v0, v1;
	v1 =	vmin.f32 v60, v6;
	v3 =	vperm.xlane v2, v4  }
0x127: {  	v0 =	vmax.f32 v0, v1;
	v1 =	vmin.f32 v17, v18  }
0x128: {  	v0 =	vmax.f32 v0, v1;
	v1 =	vmin.f32 v19, v20;
	v2 =	vmax.f32 v2, v3  }
0x129: {  	v0 =	vmax.f32 v0, v1;
	v1 =	vmin.f32 v61, v21;
	vm3 =	veq.f32 v35, v2  }
0x12a: {  	v0 =	vmax.f32 v0, v1;
	v1 =	vmin.f32 v63, v22;
	v3 =	vnsel vm3, $0x10, v39  }
0x12b: {  	v0 =	vmax.f32 v0, v1;
	v1 =	vmin.f32 v56, v23;
	v6 =	vperm.xlane v3, v7  }
0x12c: {  	v0 =	vmax.f32 v0, v1;
	v1 =	vmin.f32 v55, v24  }
0x12d: {  	v0 =	vmax.f32 v0, v1;
	v1 =	vmin.f32 v57, v25;
	vm3 =	vlt.s32 v3, v6  }
0x12e: {  	v0 =	vmax.f32 v0, v1;
	v1 =	vmin.f32 v62, v26;
	v3 =	vsel vm3, v3, v6  }
0x12f: {  	v0 =	vmax.f32 v0, v1;
	v1 =	vmin.f32 v48, v27;
	v6 =	vperm.xlane v3, v8  }
0x130: {  	v0 =	vmax.f32 v0, v1;
	v1 =	vmin.f32 v46, v28  }
0x131: {  	v0 =	vmax.f32 v0, v1;
	v1 =	vmin.f32 v51, v29;
	vm3 =	vlt.s32 v3, v6  }
0x132: {  	v37 =	vld [tilespmem:$0x1FE40];
	v0 =	vmax.f32 v0, v1;
	v1 =	vmin.f32 v59, v30;
	v3 =	vsel vm3, v3, v6  }
0x133: {  	v36 =	vld [tilespmem:$0x1FFF0];
	v0 =	vmax.f32 v0, v1;
	v1 =	vmin.f32 v43, v31;
	v6 =	vperm.xlane v3, v9  }
0x134: {  	v10 =	vld [tilespmem:$0x18780];
	v0 =	vmax.f32 v0, v1;
	v1 =	vmin.f32 v45, v32  }
0x135: {  	v17 =	vld [tilespmem:$0x18900];
	v0 =	vmax.f32 v0, v1;
	v1 =	vmin.f32 v44, v33;
	vm3 =	vlt.s32 v3, v6  }
0x136: {  	v20 =	vld [tilespmem:$0x1FE60];
	v0 =	vmax.f32 v0, v1;
	v1 =	vmin.f32 v58, v34;
	v3 =	vsel vm3, v3, v6  }
0x137: {  	v0 =	vmax.f32 v0, v1;
	v6 =	vld [tilespmem:$0x18800];
	v16 =	vperm.xlane v3, v4  }
0x138: {  	v1 =	vld [tilespmem:$0x18880];
	v0 =	vsel vm0, v0, v50  }
0x139: {  	v21 =	vld [tilespmem:$0x1FE70];
	v0 =	vsel vm1, v0, v52;
	vm15 =	vlt.s32 v3, v16  }
0x13a: {  	v22 =	vld [tilespmem:$0x1FE80];
	v0 =	vsel vm2, v0, v47;
	v3 =	vsel vm15, v3, v16  }
0x13b: {  	v23 =	vld [tilespmem:$0x1FE90];
	v16 =	vmax.f32 v10, v41;
	v10 =	vmin.f32 v10, v41;
	vm0 =	veq.s32 v3, v39  }
0x13c: {  	v24 =	vld [tilespmem:$0x1FEA0];
	v3 =	vmax.f32 v6, v10;
	v6 =	vmin.f32 v6, v10;
	v0 =	vsel vm0, v0, v35  }
0x13d: {  	v25 =	vld [tilespmem:$0x1FEB0];
	v10 =	vmax.f32 v1, v6;
	v1 =	vmin.f32 v1, v6;
	v6 =	vperm.xlane v0, v7  }
0x13e: {  	v26 =	vld [tilespmem:$0x1FEC0];
	v18 =	vmax.f32 v17, v1;
	v1 =	vmin.f32 v17, v1;
	v17 =	vmin.f32 v16, v42  }
0x13f: {  	v27 =	vld [tilespmem:$0x1FED0];
	v1 =	vmax.f32 v15, v1;
	v15 =	vmin.f32 v3, v17;
	v0 =	vmax.f32 v0, v6  }
0x140: {  	v28 =	vld [tilespmem:$0x1FEE0];
	v6 =	vmax.f32 v16, v42;
	v16 =	vmin.f32 v10, v15;
	v19 =	vperm.xlane v0, v8  }
0x141: {  	v29 =	vld [tilespmem:$0x1FEF0];
	v3 =	vmax.f32 v3, v17;
	v10 =	vmax.f32 v10, v15;
	v15 =	vmax.f32 v18, v16  }
0x142: {  	v30 =	vld [tilespmem:$0x1FF00];
	v16 =	vmin.f32 v18, v16;
	v17 =	vmin.f32 v6, v5;
	v0 =	vmax.f32 v0, v19  }
0x143: {  	v31 =	vld [tilespmem:$0x1FF10];
	v1 =	vmax.f32 v1, v16;
	v16 =	vmin.f32 v3, v17;
	v18 =	vperm.xlane v0, v9  }
0x144: {  	v32 =	vld [tilespmem:$0x1FF20];
	v5 =	vmax.f32 v6, v5;
	v3 =	vmax.f32 v3, v17;
	v6 =	vmin.f32 v10, v16  }
0x145: {  	v34 =	vld [tilespmem:$0x1FFD0];
	v10 =	vmax.f32 v10, v16;
	v16 =	vmax.f32 v15, v6;
	v0 =	vmax.f32 v0, v18  }
0x146: {  	v38 =	vld [tilespmem:$0x1FE50];
	v6 =	vmin.f32 v15, v6;
	v15 =	vmin.f32 v5, v2;
	v17 =	vperm.xlane v0, v4  }
0x147: {  	v39 =	vld [tilespmem:$0x1FF30];
	v2 =	vmax.f32 v5, v2;
	v1 =	vmax.f32 v1, v6;
	v5 =	vmin.f32 v3, v15  }
0x148: {  	v35 =	vld [tilespmem:$0x1FFE0];
	v3 =	vmax.f32 v3, v15;
	v6 =	vmax.f32 v10, v5;
	v0 =	vmax.f32 v0, v17  }
0x149: {  	v19 =	vld [tilespmem:$0x1FF40];
	v5 =	vmin.f32 v10, v5;
	v10 =	vmax.f32 v2, v0;
	v0 =	vmin.f32 v2, v0  }
0x14a: {  	v18 =	vld [tilespmem:$0x1FF50];
	v2 =	vmax.f32 v16, v5;
	v15 =	vmax.f32 v3, v0;
	v0 =	vmin.f32 v3, v0  }
0x14b: {  	v3 =	vmin.f32 v16, v5;
	v16 =	vld [tilespmem:$0x1FF70];
	v5 =	vmax.f32 v6, v0;
	v0 =	vmin.f32 v6, v0  }
.Ltmp7:
0x14c: {  	[tilespmem:$0x18780] =	vst v10;
	v1 =	vmax.f32 v1, v3;
	v3 =	vmax.f32 v2, v0;
	v0 =	vmin.f32 v2, v0;
	v2 =	vld [tilespmem:$0x1FF80];
	(pc) =	sbr.rel .LBB2_5-.Ltmp7, $4  }
0x14d: {  	[tilespmem:$0x18800] =	vst v15;
	v15 =	vmax.f32 v1, v0;
	v0 =	vld [tilespmem:$0x1FFA0]  }
0x14e: {  	[tilespmem:$0x18880] =	vst v5;
	v1 =	vld [tilespmem:$0x1FF90]  }
0x14f: {  	[tilespmem:$0x18900] =	vst v3;
	v3 =	vld [tilespmem:$0x1FFB0]  }
0x150: {  	v33 =	vlaneseq.u32;
	v17 =	vld [tilespmem:$0x1FF60];
	[tilespmem:$0x18980] =	vst v15  }
.LBB2_8:
0x151: {  	_ =	sfence.sel $0x180000  }
0x152: {  	[bflag:$0x0] =	sbarrier.arrive $0xFFFF  }
0x153: {  	p0 =	sne.s32 s3, $0x0;
	_ =	strace $0x90000047  }
0x154: {  	s0 =	sadd.s32 @!p0 $0x100000, s0;
	[bflag:$0x2] =	sbarrier.arrive $0xFFFF  }
0x155: {  	[sflag:s0] =	ssyncadd.tile.s32 @!p0 $0x1;
	_ =	shalt  }
.Lfunc_end2:
_tile_overlayer_lowered:
.L_overlay_start_2:
0x156: {  	(tag) =	ssettag $0x2  }
0x157: {  	s0 =	rddreg [dreg:$0x0];
	s2 =	stileid.u32  }
0x158: {  	s1 =	rddreg [dreg:$0x1];
	p0 =	sne.s32 s2, $0x0  }
0x159: {  	s3 =	rddreg [dreg:$0x2];
	[bflag:$0x3] =	sbarrier.arrive $0xFFFF;
	s2 =	simm.s32 @!p0 $0x1C01  }
0x15a: {  	[timem:s3], [sflag:s2] =	dma.local @!p0 [hbm:s0], s1  }
0x15b: {  	s0 =	simm.s32 @!p0 $0x1  }
0x15c: {  	_ =	swait.ge @!p0 [sflag:s0], s1  }
0x15d: {  	s1 =	ssub.s32 @!p0 $0x0, s1;
	[sflag:s0] =	ssyncset.done @!p0 $0x0  }
0x15e: {  	[sflag:s0] =	ssyncadd.s32 @!p0 s1  }
0x15f: {  	[bflag:$0x3] =	sbarrier.arrive $0xFFFF  }
0x160: {  	_ =	shalt  }

</sc_bundles>
